<compile_context>
chip_gen: v7x
topology: tpu7x:2x2x1
jax: 0.10.2.dev20260603
libtpu: 0.0.44.dev20260713+nightly
codegen_flags: <defaults>
</compile_context>

<pallas_src>
import functools

import jax
import jax.numpy as jnp
from jax import lax
from jax.experimental import pallas as pl
from jax.experimental.pallas import tpu as pltpu
from jax.experimental.pallas import tpu_sc as plsc

N = 10000
D = 128
E = 320000
G = 64

NC = 2
NS = 16
NW = NC * NS
ECHUNK = 128
NCH = 79
EPAD = NW * NCH * ECHUNK
NPAD = 10240
RPT = NPAD // NS

RB = 1024
NB = NPAD // RB



def _sc_body(with_deg, x_hbm, src_hbm, dst_hbm, z_hbm, acc_out,
             deg_out, src_v, dst_v, rows_v, deg_v, acc_sh):
    cid = lax.axis_index("c")
    sid = lax.axis_index("s")
    wid = cid * NS + sid
    row0 = sid * RPT

    pltpu.sync_copy(z_hbm, acc_sh.at[pl.ds(row0, RPT)])
    if with_deg:
        def zdeg(i, carry):
            deg_v[pl.ds(i * 16, 16)] = jnp.zeros((16,), jnp.float32)
            return carry
        lax.fori_loop(0, NPAD // 16, zdeg, 0)

    pltpu.sync_copy(src_hbm.at[wid], src_v)
    pltpu.sync_copy(dst_hbm.at[wid], dst_v)
    plsc.subcore_barrier()

    ones16 = jnp.full((16,), 1.0, jnp.float32)

    def chunk(j, carry):
        pltpu.sync_copy(x_hbm.at[src_v.at[j]], rows_v)
        pltpu.sync_copy(rows_v, acc_sh.at[dst_v.at[j]], add=True)
        if with_deg:
            for k in range(ECHUNK // 16):
                idx = dst_v[j, pl.ds(k * 16, 16)]
                plsc.addupdate_scatter(deg_v, [idx], ones16)
        return carry

    lax.fori_loop(0, NCH, chunk, 0)

    plsc.subcore_barrier()

    pltpu.sync_copy(acc_sh.at[pl.ds(row0, RPT)],
                    acc_out.at[cid, pl.ds(row0, RPT)])
    if with_deg:
        pltpu.sync_copy(deg_v, deg_out.at[wid])


@functools.cache
def _make_sc_agg(with_deg):
    mesh = plsc.VectorSubcoreMesh(core_axis_name="c", subcore_axis_name="s",
                                  num_cores=NC, num_subcores=NS)
    out_type = [jax.ShapeDtypeStruct((NC, NPAD, D), jnp.float32)]
    if with_deg:
        out_type.append(jax.ShapeDtypeStruct((NW, NPAD), jnp.float32))
    scratch = [
        pltpu.VMEM((NCH, ECHUNK), jnp.int32),
        pltpu.VMEM((NCH, ECHUNK), jnp.int32),
        pltpu.VMEM((ECHUNK, D), jnp.float32),
        pltpu.VMEM((NPAD,), jnp.float32),
        pltpu.VMEM_SHARED((NPAD, D), jnp.float32),
    ]

    body = functools.partial(_sc_body, with_deg)
    if not with_deg:
        def body(x_hbm, src_hbm, dst_hbm, z_hbm, acc_out,
                 src_v, dst_v, rows_v, deg_v, acc_sh):
            _sc_body(False, x_hbm, src_hbm, dst_hbm, z_hbm, acc_out, None,
                     src_v, dst_v, rows_v, deg_v, acc_sh)

    return pl.kernel(
        body, out_type=out_type, mesh=mesh, scratch_types=scratch,
        compiler_params=pltpu.CompilerParams(needs_layout_passes=False))



def _tc_layer_body(acc_ref, deg_ref, w_ref, b_ref, h_ref):
    a = acc_ref[0] + acc_ref[1]
    d = jnp.sum(deg_ref[...], axis=0)
    s = 1.0 / jnp.maximum(d, 1.0)
    h = jnp.dot(a * s[:, None], w_ref[...],
                preferred_element_type=jnp.float32) + b_ref[...]
    h_ref[...] = jnp.maximum(h, 0.0)


def _tc_layer(acc, deg, w, b2):
    return pl.pallas_call(
        _tc_layer_body,
        grid=(NB,),
        in_specs=[
            pl.BlockSpec((NC, RB, D), lambda i: (0, i, 0)),
            pl.BlockSpec((NW, RB), lambda i: (0, i)),
            pl.BlockSpec((D, D), lambda i: (0, 0)),
            pl.BlockSpec((1, D), lambda i: (0, 0)),
        ],
        out_specs=pl.BlockSpec((RB, D), lambda i: (i, 0)),
        out_shape=jax.ShapeDtypeStruct((NPAD, D), jnp.float32),
    )(acc, deg, w, b2)


def _tc_final_body(acc_ref, deg_ref, w_ref, b_ref, batch_ref, wout_ref,
                   bout_ref, out_ref, pooled_ref, cnt_ref):
    i = pl.program_id(0)

    @pl.when(i == 0)
    def _():
        pooled_ref[...] = jnp.zeros((G, D), jnp.float32)
        cnt_ref[...] = jnp.zeros((G, D), jnp.float32)

    a = acc_ref[0] + acc_ref[1]
    d = jnp.sum(deg_ref[...], axis=0)
    s = 1.0 / jnp.maximum(d, 1.0)
    h = jnp.dot(a * s[:, None], w_ref[...],
                preferred_element_type=jnp.float32) + b_ref[...]
    h = jnp.maximum(h, 0.0)

    bb = batch_ref[0, 0]
    onehot = (bb[None, :] == lax.broadcasted_iota(jnp.int32, (G, RB), 0)
              ).astype(jnp.float32)
    pooled_ref[...] += jnp.dot(onehot, h, preferred_element_type=jnp.float32)
    cnt_ref[...] += jnp.dot(onehot, jnp.ones((RB, D), jnp.float32),
                            preferred_element_type=jnp.float32)

    @pl.when(i == NB - 1)
    def _():
        c = cnt_ref[...]
        pm = pooled_ref[...] / jnp.maximum(c, 1.0)
        nonempty = (c[:, :1] > 0.0).astype(jnp.float32)
        out_ref[...] = (jnp.dot(pm, wout_ref[...],
                                preferred_element_type=jnp.float32)
                        + bout_ref[...] * nonempty)


def _tc_final(acc, deg, w, b2, batch3, woutp, boutp):
    return pl.pallas_call(
        _tc_final_body,
        grid=(NB,),
        in_specs=[
            pl.BlockSpec((NC, RB, D), lambda i: (0, i, 0)),
            pl.BlockSpec((NW, RB), lambda i: (0, i)),
            pl.BlockSpec((D, D), lambda i: (0, 0)),
            pl.BlockSpec((1, D), lambda i: (0, 0)),
            pl.BlockSpec((1, 1, RB), lambda i: (i, 0, 0)),
            pl.BlockSpec((D, D), lambda i: (0, 0)),
            pl.BlockSpec((1, D), lambda i: (0, 0)),
        ],
        out_specs=pl.BlockSpec((G, D), lambda i: (0, 0)),
        out_shape=jax.ShapeDtypeStruct((G, D), jnp.float32),
        scratch_shapes=[
            pltpu.VMEM((G, D), jnp.float32),
            pltpu.VMEM((G, D), jnp.float32),
        ],
    )(acc, deg, w, b2, batch3, woutp, boutp)



def kernel(x, edge_index, batch, W0, b0, W1, b1, Wout, bout):
    src = edge_index[0].astype(jnp.int32)
    dst = edge_index[1].astype(jnp.int32)
    src3 = jnp.concatenate(
        [src, jnp.zeros((EPAD - E,), jnp.int32)]).reshape(NW, NCH, ECHUNK)
    pad_dst = N + jnp.arange(EPAD - E, dtype=jnp.int32) % (NPAD - N)
    dst3 = jnp.concatenate([dst, pad_dst]).reshape(NW, NCH, ECHUNK)
    zrows = jnp.zeros((RPT, D), jnp.float32)

    acc1, deg = _make_sc_agg(True)(x, src3, dst3, zrows)

    h1 = _tc_layer(acc1, deg, W0, b0.reshape(1, D))

    acc2, = _make_sc_agg(False)(h1, src3, dst3, zrows)

    batch3 = jnp.concatenate(
        [batch.astype(jnp.int32),
         jnp.full((NPAD - N,), G, jnp.int32)]).reshape(NB, 1, RB)
    woutp = jnp.pad(Wout, ((0, 0), (0, D - Wout.shape[1])))
    boutp = jnp.pad(bout, (0, D - bout.shape[0])).reshape(1, D)

    out128 = _tc_final(acc2, deg, W1, b1.reshape(1, D), batch3, woutp, boutp)
    return out128[:, :bout.shape[0]]

# --- scband reference (transcript-rebuilt; emitter-appended) ---
"""Pipeline reference for scband-fuse-base-17239998726599 (READ-ONLY COPY).

The authoritative reference and input builder live on the scoring server;
editing this copy changes nothing except your own understanding.
"""

import jax, jax.numpy as jnp
import numpy as np

N_NODES = 10000
N_EDGES = 320000
IN_DIM = 128
HID_DIM = 128
NCLASS = 40
N_GRAPHS = 64


def setup_inputs(seed: int = 0) -> dict:
    key = jax.random.key(seed)
    ks = jax.random.split(key, 10)
    x = jax.random.normal(ks[0], (N_NODES, IN_DIM), dtype=jnp.float32)
    edge_index = jax.random.randint(ks[1], (2, N_EDGES), 0, N_NODES, dtype=jnp.int64)
    batch = jnp.sort(jax.random.randint(ks[2], (N_NODES,), 0, N_GRAPHS, dtype=jnp.int64))
    s0 = 1.0 / np.sqrt(IN_DIM)
    s1 = 1.0 / np.sqrt(HID_DIM)
    W0 = jax.random.uniform(ks[3], (IN_DIM, HID_DIM), minval=-s0, maxval=s0, dtype=jnp.float32)
    b0 = jax.random.uniform(ks[4], (HID_DIM,), minval=-s0, maxval=s0, dtype=jnp.float32)
    W1 = jax.random.uniform(ks[5], (HID_DIM, HID_DIM), minval=-s1, maxval=s1, dtype=jnp.float32)
    b1 = jax.random.uniform(ks[6], (HID_DIM,), minval=-s1, maxval=s1, dtype=jnp.float32)
    Wout = jax.random.uniform(ks[7], (HID_DIM, NCLASS), minval=-s1, maxval=s1, dtype=jnp.float32)
    bout = jax.random.uniform(ks[8], (NCLASS,), minval=-s1, maxval=s1, dtype=jnp.float32)
    return {"x": x, "edge_index": edge_index, "batch": batch,
            "W0": W0, "b0": b0, "W1": W1, "b1": b1, "Wout": Wout, "bout": bout}


def _mp_layer(x, src, dst, W, b):
    # mean-aggregation message passing (GCN-style) over incoming edges
    ones = jnp.ones((src.shape[0],), dtype=x.dtype)
    deg = jax.ops.segment_sum(ones, dst, num_segments=N_NODES)
    agg = jax.ops.segment_sum(x[src], dst, num_segments=N_NODES)
    agg = agg / jnp.clip(deg, 1.0)[:, None]
    return jax.nn.relu(agg @ W + b)


def reference(x, edge_index, batch, W0, b0, W1, b1, Wout, bout):
    src = edge_index[0]
    dst = edge_index[1]
    # self.net: two MessagePassing layers (dropout is a no-op in eval)
    h = _mp_layer(x, src, dst, W0, b0)
    h = _mp_layer(h, src, dst, W1, b1)
    # self.output linear
    logits = h @ Wout + bout
    # scatter(x, batch.batch, dim=0, reduce='mean') -> graph-level pooling
    ones = jnp.ones((logits.shape[0],), dtype=logits.dtype)
    cnt = jax.ops.segment_sum(ones, batch, num_segments=N_GRAPHS)
    pooled = jax.ops.segment_sum(logits, batch, num_segments=N_GRAPHS)
    pooled = pooled / jnp.clip(cnt, 1.0)[:, None]
    return pooled

if __name__ == "__main__":
    import jax
    _d = setup_inputs()
    print(jax.jit(kernel)(*tuple(_d.values())))

</pallas_src>

<mosaic_0001>
#map = affine_map<(d0, d1) -> (0, 0)>
#map1 = affine_map<(d0, d1) -> (0, 0, 0)>
module attributes {stable_mosaic.version = 14 : i64} {
  func.func @_sc_body(%arg0: i32, %arg1: i32, %arg2: memref<10000x128xf32, #tpu.memory_space<hbm>>, %arg3: memref<32x79x128xi32, #tpu.memory_space<hbm>>, %arg4: memref<32x79x128xi32, #tpu.memory_space<hbm>>, %arg5: memref<640x128xf32, #tpu.memory_space<hbm>>, %arg6: memref<2x10240x128xf32, #tpu.memory_space<hbm>>, %arg7: memref<32x10240xf32, #tpu.memory_space<hbm>>, %arg8: memref<79x128xi32, #tpu.memory_space<vmem>>, %arg9: memref<79x128xi32, #tpu.memory_space<vmem>>, %arg10: memref<128x128xf32, #tpu.memory_space<vmem>>, %arg11: memref<10240xf32, #tpu.memory_space<vmem>>, %arg12: memref<10240x128xf32, #tpu.memory_space<vmem_shared>>) attributes {dimension_semantics = [#tpu.dimension_semantics<core_parallel>, #tpu.dimension_semantics<subcore_parallel>], iteration_bounds = array<i64: 2, 16>, scalar_prefetch = 0 : i64, scratch_operands = 5 : i64, tpu.core_type = #tpu.core_type<sc_vector_subcore>, window_params = [{transform_indices = #map}, {transform_indices = #map1}, {transform_indices = #map1}, {transform_indices = #map}, {transform_indices = #map1}, {transform_indices = #map}]} {
    %mul3A = arith.constant 16 : i32
    %mul3A_0 = arith.muli %arg0, %mul3A : i32
    %add3A = arith.addi %mul3A_0, %arg1 : i32
    %mul3A_1 = arith.constant 640 : i32
    %mul3A_2 = arith.muli %arg1, %mul3A_1 : i32
    "tpu.region"() ({
      %run_scoped3A = tpu.sem_alloc : memref<!tpu.dma_semaphore, #tpu.memory_space<semaphore_mem>>
      %dma_start3A = arith.constant 0 : i32
      %dma_start3A_16 = tpu.memref_slice %arg12[%mul3A_2, %dma_start3A] : memref<10240x128xf32, #tpu.memory_space<vmem_shared>> -> memref<640x128xf32, #tpu.memory_space<vmem_shared>>
      tpu.enqueue_dma source(%arg5 : memref<640x128xf32, #tpu.memory_space<hbm>>) target(%dma_start3A_16 : memref<640x128xf32, #tpu.memory_space<vmem_shared>>) target_semaphore(%run_scoped3A : memref<!tpu.dma_semaphore, #tpu.memory_space<semaphore_mem>>)
      %dma_wait3A = arith.constant 0 : i32
      %dma_wait3A_17 = tpu.memref_slice %arg12[%mul3A_2, %dma_wait3A] : memref<10240x128xf32, #tpu.memory_space<vmem_shared>> -> memref<640x128xf32, #tpu.memory_space<vmem_shared>>
      tpu.wait_dma2 semaphore(%run_scoped3A : memref<!tpu.dma_semaphore, #tpu.memory_space<semaphore_mem>>) src(%arg5 : memref<640x128xf32, #tpu.memory_space<hbm>>) dst(%dma_wait3A_17 : memref<640x128xf32, #tpu.memory_space<vmem_shared>>)
      tpu.yield
    }) : () -> ()
    %scan3A = arith.constant 0 : i32
    %scan3A_3 = arith.constant 0 : i32
    %scan3A_4 = arith.constant 640 : i32
    %scan3A_5 = arith.addi %scan3A_3, %scan3A_4 : i32
    %scan3A_6 = arith.constant 1 : i32
    scf.for %scan3A_16 = %scan3A_3 to %scan3A_5 step %scan3A_6  : i32 {
      %broadcast_in_dim3A_17 = arith.constant 0.000000e+00 : f32
      %broadcast_in_dim3A_18 = vector.broadcast %broadcast_in_dim3A_17 : f32 to vector<16xf32>
      %mul3A_19 = arith.constant 16 : i32
      %mul3A_20 = arith.muli %scan3A_16, %mul3A_19 : i32
      %swap3A = arith.index_cast %mul3A_20 : i32 to index
      %swap3A_21 = tpu.vector_load %arg11[%swap3A] {strides = array<i32>} : memref<10240xf32, #tpu.memory_space<vmem>>, vector<16xf32>,
      tpu.vector_store %arg11[%swap3A], %broadcast_in_dim3A_18 {strides = array<i32>} : memref<10240xf32, #tpu.memory_space<vmem>>, vector<16xf32>,
    }
    %scan3A_7 = arith.constant 640 : i32
    "tpu.region"() ({
      %run_scoped3A = tpu.sem_alloc : memref<!tpu.dma_semaphore, #tpu.memory_space<semaphore_mem>>
      %dma_start3A = arith.constant 0 : i32
      %dma_start3A_16 = arith.constant 0 : i32
      %dma_start3A_17 = tpu.memref_slice %arg3[%add3A, %dma_start3A, %dma_start3A_16] : memref<32x79x128xi32, #tpu.memory_space<hbm>> -> memref<1x79x128xi32, #tpu.memory_space<hbm>>
      %dma_start3A_18 = tpu.memref_squeeze %dma_start3A_17 : memref<1x79x128xi32, #tpu.memory_space<hbm>> -> memref<79x128xi32, #tpu.memory_space<hbm>>
      %dma_start3A_19 = arith.constant 0 : i32
      %dma_start3A_20 = arith.constant 0 : i32
      %dma_start3A_21 = tpu.memref_slice %arg3[%add3A, %dma_start3A_19, %dma_start3A_20] : memref<32x79x128xi32, #tpu.memory_space<hbm>> -> memref<1x79x128xi32, #tpu.memory_space<hbm>>
      %dma_start3A_22 = tpu.memref_squeeze %dma_start3A_21 : memref<1x79x128xi32, #tpu.memory_space<hbm>> -> memref<79x128xi32, #tpu.memory_space<hbm>>
      tpu.enqueue_dma source(%dma_start3A_22 : memref<79x128xi32, #tpu.memory_space<hbm>>) target(%arg8 : memref<79x128xi32, #tpu.memory_space<vmem>>) target_semaphore(%run_scoped3A : memref<!tpu.dma_semaphore, #tpu.memory_space<semaphore_mem>>)
      %dma_wait3A = arith.constant 0 : i32
      %dma_wait3A_23 = arith.constant 0 : i32
      %dma_wait3A_24 = tpu.memref_slice %arg3[%add3A, %dma_wait3A, %dma_wait3A_23] : memref<32x79x128xi32, #tpu.memory_space<hbm>> -> memref<1x79x128xi32, #tpu.memory_space<hbm>>
      %dma_wait3A_25 = tpu.memref_squeeze %dma_wait3A_24 : memref<1x79x128xi32, #tpu.memory_space<hbm>> -> memref<79x128xi32, #tpu.memory_space<hbm>>
      %dma_wait3A_26 = arith.constant 0 : i32
      %dma_wait3A_27 = arith.constant 0 : i32
      %dma_wait3A_28 = tpu.memref_slice %arg3[%add3A, %dma_wait3A_26, %dma_wait3A_27] : memref<32x79x128xi32, #tpu.memory_space<hbm>> -> memref<1x79x128xi32, #tpu.memory_space<hbm>>
      %dma_wait3A_29 = tpu.memref_squeeze %dma_wait3A_28 : memref<1x79x128xi32, #tpu.memory_space<hbm>> -> memref<79x128xi32, #tpu.memory_space<hbm>>
      tpu.wait_dma2 semaphore(%run_scoped3A : memref<!tpu.dma_semaphore, #tpu.memory_space<semaphore_mem>>) src(%dma_wait3A_29 : memref<79x128xi32, #tpu.memory_space<hbm>>) dst(%arg8 : memref<79x128xi32, #tpu.memory_space<vmem>>)
      tpu.yield
    }) : () -> ()
    "tpu.region"() ({
      %run_scoped3A = tpu.sem_alloc : memref<!tpu.dma_semaphore, #tpu.memory_space<semaphore_mem>>
      %dma_start3A = arith.constant 0 : i32
      %dma_start3A_16 = arith.constant 0 : i32
      %dma_start3A_17 = tpu.memref_slice %arg4[%add3A, %dma_start3A, %dma_start3A_16] : memref<32x79x128xi32, #tpu.memory_space<hbm>> -> memref<1x79x128xi32, #tpu.memory_space<hbm>>
      %dma_start3A_18 = tpu.memref_squeeze %dma_start3A_17 : memref<1x79x128xi32, #tpu.memory_space<hbm>> -> memref<79x128xi32, #tpu.memory_space<hbm>>
      %dma_start3A_19 = arith.constant 0 : i32
      %dma_start3A_20 = arith.constant 0 : i32
      %dma_start3A_21 = tpu.memref_slice %arg4[%add3A, %dma_start3A_19, %dma_start3A_20] : memref<32x79x128xi32, #tpu.memory_space<hbm>> -> memref<1x79x128xi32, #tpu.memory_space<hbm>>
      %dma_start3A_22 = tpu.memref_squeeze %dma_start3A_21 : memref<1x79x128xi32, #tpu.memory_space<hbm>> -> memref<79x128xi32, #tpu.memory_space<hbm>>
      tpu.enqueue_dma source(%dma_start3A_22 : memref<79x128xi32, #tpu.memory_space<hbm>>) target(%arg9 : memref<79x128xi32, #tpu.memory_space<vmem>>) target_semaphore(%run_scoped3A : memref<!tpu.dma_semaphore, #tpu.memory_space<semaphore_mem>>)
      %dma_wait3A = arith.constant 0 : i32
      %dma_wait3A_23 = arith.constant 0 : i32
      %dma_wait3A_24 = tpu.memref_slice %arg4[%add3A, %dma_wait3A, %dma_wait3A_23] : memref<32x79x128xi32, #tpu.memory_space<hbm>> -> memref<1x79x128xi32, #tpu.memory_space<hbm>>
      %dma_wait3A_25 = tpu.memref_squeeze %dma_wait3A_24 : memref<1x79x128xi32, #tpu.memory_space<hbm>> -> memref<79x128xi32, #tpu.memory_space<hbm>>
      %dma_wait3A_26 = arith.constant 0 : i32
      %dma_wait3A_27 = arith.constant 0 : i32
      %dma_wait3A_28 = tpu.memref_slice %arg4[%add3A, %dma_wait3A_26, %dma_wait3A_27] : memref<32x79x128xi32, #tpu.memory_space<hbm>> -> memref<1x79x128xi32, #tpu.memory_space<hbm>>
      %dma_wait3A_29 = tpu.memref_squeeze %dma_wait3A_28 : memref<1x79x128xi32, #tpu.memory_space<hbm>> -> memref<79x128xi32, #tpu.memory_space<hbm>>
      tpu.wait_dma2 semaphore(%run_scoped3A : memref<!tpu.dma_semaphore, #tpu.memory_space<semaphore_mem>>) src(%dma_wait3A_29 : memref<79x128xi32, #tpu.memory_space<hbm>>) dst(%arg9 : memref<79x128xi32, #tpu.memory_space<vmem>>)
      tpu.yield
    }) : () -> ()
    %barrier3A = arith.constant 0 : index
    tpu.barrier barrier_id(%barrier3A)
    %broadcast_in_dim3A = arith.constant 1.000000e+00 : f32
    %broadcast_in_dim3A_8 = vector.broadcast %broadcast_in_dim3A : f32 to vector<16xf32>
    %scan3A_9 = arith.constant 0 : i32
    %scan3A_10 = arith.constant 0 : i32
    %scan3A_11 = arith.constant 79 : i32
    %scan3A_12 = arith.addi %scan3A_10, %scan3A_11 : i32
    %scan3A_13 = arith.constant 1 : i32
    scf.for %scan3A_16 = %scan3A_10 to %scan3A_12 step %scan3A_13  : i32 {
      "tpu.region"() ({
        %run_scoped3A = tpu.sem_alloc : memref<!tpu.dma_semaphore, #tpu.memory_space<semaphore_mem>>
        %dma_start3A = arith.constant 0 : i32
        %dma_start3A_40 = tpu.memref_slice %arg8[%scan3A_16, %dma_start3A] : memref<79x128xi32, #tpu.memory_space<vmem>> -> memref<1x128xi32, #tpu.memory_space<vmem>>
        %dma_start3A_41 = tpu.memref_squeeze %dma_start3A_40 : memref<1x128xi32, #tpu.memory_space<vmem>> -> memref<128xi32, #tpu.memory_space<vmem>>
        %dma_start3A_42 = arith.constant 0 : i32
        %dma_start3A_43 = arith.constant 0 : i32
        %dma_start3A_44 = tpu.memref_slice %arg2[%dma_start3A_42, %dma_start3A_43] : memref<10000x128xf32, #tpu.memory_space<hbm>> -> memref<10000x128xf32, #tpu.memory_space<hbm>>
        tpu.enqueue_indirect_dma source(%dma_start3A_44 : memref<10000x128xf32, #tpu.memory_space<hbm>>) target(%arg10 : memref<128x128xf32, #tpu.memory_space<vmem>>) offsets(%dma_start3A_41 : memref<128xi32, #tpu.memory_space<vmem>>) semaphore(%run_scoped3A : memref<!tpu.dma_semaphore, #tpu.memory_space<semaphore_mem>>)
        %dma_wait3A = arith.constant 0 : i32
        %dma_wait3A_45 = tpu.memref_slice %arg8[%scan3A_16, %dma_wait3A] : memref<79x128xi32, #tpu.memory_space<vmem>> -> memref<1x128xi32, #tpu.memory_space<vmem>>
        %dma_wait3A_46 = tpu.memref_squeeze %dma_wait3A_45 : memref<1x128xi32, #tpu.memory_space<vmem>> -> memref<128xi32, #tpu.memory_space<vmem>>
        %dma_wait3A_47 = arith.constant 0 : i32
        %dma_wait3A_48 = arith.constant 0 : i32
        %dma_wait3A_49 = tpu.memref_slice %arg2[%dma_wait3A_47, %dma_wait3A_48] : memref<10000x128xf32, #tpu.memory_space<hbm>> -> memref<10000x128xf32, #tpu.memory_space<hbm>>
        tpu.wait_indirect_dma semaphore(%run_scoped3A : memref<!tpu.dma_semaphore, #tpu.memory_space<semaphore_mem>>) src(%dma_wait3A_49 : memref<10000x128xf32, #tpu.memory_space<hbm>>) dst(%arg10 : memref<128x128xf32, #tpu.memory_space<vmem>>)
        tpu.yield
      }) : () -> ()
      "tpu.region"() ({
        %run_scoped3A = tpu.sem_alloc : memref<!tpu.dma_semaphore, #tpu.memory_space<semaphore_mem>>
        %dma_start3A = arith.constant 0 : i32
        %dma_start3A_40 = tpu.memref_slice %arg9[%scan3A_16, %dma_start3A] : memref<79x128xi32, #tpu.memory_space<vmem>> -> memref<1x128xi32, #tpu.memory_space<vmem>>
        %dma_start3A_41 = tpu.memref_squeeze %dma_start3A_40 : memref<1x128xi32, #tpu.memory_space<vmem>> -> memref<128xi32, #tpu.memory_space<vmem>>
        %dma_start3A_42 = arith.constant 0 : i32
        %dma_start3A_43 = arith.constant 0 : i32
        %dma_start3A_44 = tpu.memref_slice %arg12[%dma_start3A_42, %dma_start3A_43] : memref<10240x128xf32, #tpu.memory_space<vmem_shared>> -> memref<10240x128xf32, #tpu.memory_space<vmem_shared>>
        tpu.enqueue_indirect_dma source(%arg10 : memref<128x128xf32, #tpu.memory_space<vmem>>) target(%dma_start3A_44 : memref<10240x128xf32, #tpu.memory_space<vmem_shared>>) offsets(%dma_start3A_41 : memref<128xi32, #tpu.memory_space<vmem>>) semaphore(%run_scoped3A : memref<!tpu.dma_semaphore, #tpu.memory_space<semaphore_mem>>) {add = true}
        %dma_wait3A = arith.constant 0 : i32
        %dma_wait3A_45 = tpu.memref_slice %arg9[%scan3A_16, %dma_wait3A] : memref<79x128xi32, #tpu.memory_space<vmem>> -> memref<1x128xi32, #tpu.memory_space<vmem>>
        %dma_wait3A_46 = tpu.memref_squeeze %dma_wait3A_45 : memref<1x128xi32, #tpu.memory_space<vmem>> -> memref<128xi32, #tpu.memory_space<vmem>>
        %dma_wait3A_47 = arith.constant 0 : i32
        %dma_wait3A_48 = arith.constant 0 : i32
        %dma_wait3A_49 = tpu.memref_slice %arg12[%dma_wait3A_47, %dma_wait3A_48] : memref<10240x128xf32, #tpu.memory_space<vmem_shared>> -> memref<10240x128xf32, #tpu.memory_space<vmem_shared>>
        tpu.wait_indirect_dma semaphore(%run_scoped3A : memref<!tpu.dma_semaphore, #tpu.memory_space<semaphore_mem>>) src(%arg10 : memref<128x128xf32, #tpu.memory_space<vmem>>) dst(%dma_wait3A_49 : memref<10240x128xf32, #tpu.memory_space<vmem_shared>>)
        tpu.yield
      }) : () -> ()
      %get3A = arith.index_cast %scan3A_16 : i32 to index
      %get3A_17 = arith.constant 0 : index
      %get3A_18 = tpu.vector_load %arg9[%get3A, %get3A_17] {strides = array<i32>} : memref<79x128xi32, #tpu.memory_space<vmem>>, vector<16xi32>,
      tpu.vector_store_idx %arg11[%get3A_18], %broadcast_in_dim3A_8 {add = true} : memref<10240xf32, #tpu.memory_space<vmem>>[vector<16xi32>], vector<16xf32>,
      %get3A_19 = arith.index_cast %scan3A_16 : i32 to index
      %get3A_20 = arith.constant 16 : index
      %get3A_21 = tpu.vector_load %arg9[%get3A_19, %get3A_20] {strides = array<i32>} : memref<79x128xi32, #tpu.memory_space<vmem>>, vector<16xi32>,
      tpu.vector_store_idx %arg11[%get3A_21], %broadcast_in_dim3A_8 {add = true} : memref<10240xf32, #tpu.memory_space<vmem>>[vector<16xi32>], vector<16xf32>,
      %get3A_22 = arith.index_cast %scan3A_16 : i32 to index
      %get3A_23 = arith.constant 32 : index
      %get3A_24 = tpu.vector_load %arg9[%get3A_22, %get3A_23] {strides = array<i32>} : memref<79x128xi32, #tpu.memory_space<vmem>>, vector<16xi32>,
      tpu.vector_store_idx %arg11[%get3A_24], %broadcast_in_dim3A_8 {add = true} : memref<10240xf32, #tpu.memory_space<vmem>>[vector<16xi32>], vector<16xf32>,
      %get3A_25 = arith.index_cast %scan3A_16 : i32 to index
      %get3A_26 = arith.constant 48 : index
      %get3A_27 = tpu.vector_load %arg9[%get3A_25, %get3A_26] {strides = array<i32>} : memref<79x128xi32, #tpu.memory_space<vmem>>, vector<16xi32>,
      tpu.vector_store_idx %arg11[%get3A_27], %broadcast_in_dim3A_8 {add = true} : memref<10240xf32, #tpu.memory_space<vmem>>[vector<16xi32>], vector<16xf32>,
      %get3A_28 = arith.index_cast %scan3A_16 : i32 to index
      %get3A_29 = arith.constant 64 : index
      %get3A_30 = tpu.vector_load %arg9[%get3A_28, %get3A_29] {strides = array<i32>} : memref<79x128xi32, #tpu.memory_space<vmem>>, vector<16xi32>,
      tpu.vector_store_idx %arg11[%get3A_30], %broadcast_in_dim3A_8 {add = true} : memref<10240xf32, #tpu.memory_space<vmem>>[vector<16xi32>], vector<16xf32>,
      %get3A_31 = arith.index_cast %scan3A_16 : i32 to index
      %get3A_32 = arith.constant 80 : index
      %get3A_33 = tpu.vector_load %arg9[%get3A_31, %get3A_32] {strides = array<i32>} : memref<79x128xi32, #tpu.memory_space<vmem>>, vector<16xi32>,
      tpu.vector_store_idx %arg11[%get3A_33], %broadcast_in_dim3A_8 {add = true} : memref<10240xf32, #tpu.memory_space<vmem>>[vector<16xi32>], vector<16xf32>,
      %get3A_34 = arith.index_cast %scan3A_16 : i32 to index
      %get3A_35 = arith.constant 96 : index
      %get3A_36 = tpu.vector_load %arg9[%get3A_34, %get3A_35] {strides = array<i32>} : memref<79x128xi32, #tpu.memory_space<vmem>>, vector<16xi32>,
      tpu.vector_store_idx %arg11[%get3A_36], %broadcast_in_dim3A_8 {add = true} : memref<10240xf32, #tpu.memory_space<vmem>>[vector<16xi32>], vector<16xf32>,
      %get3A_37 = arith.index_cast %scan3A_16 : i32 to index
      %get3A_38 = arith.constant 112 : index
      %get3A_39 = tpu.vector_load %arg9[%get3A_37, %get3A_38] {strides = array<i32>} : memref<79x128xi32, #tpu.memory_space<vmem>>, vector<16xi32>,
      tpu.vector_store_idx %arg11[%get3A_39], %broadcast_in_dim3A_8 {add = true} : memref<10240xf32, #tpu.memory_space<vmem>>[vector<16xi32>], vector<16xf32>,
    }
    %scan3A_14 = arith.constant 79 : i32
    %barrier3A_15 = arith.constant 0 : index
    tpu.barrier barrier_id(%barrier3A_15)
    "tpu.region"() ({
      %run_scoped3A = tpu.sem_alloc : memref<!tpu.dma_semaphore, #tpu.memory_space<semaphore_mem>>
      %dma_start3A = arith.constant 0 : i32
      %dma_start3A_16 = tpu.memref_slice %arg6[%arg0, %mul3A_2, %dma_start3A] : memref<2x10240x128xf32, #tpu.memory_space<hbm>> -> memref<1x640x128xf32, #tpu.memory_space<hbm>>
      %dma_start3A_17 = tpu.memref_squeeze %dma_start3A_16 : memref<1x640x128xf32, #tpu.memory_space<hbm>> -> memref<640x128xf32, #tpu.memory_space<hbm>>
      %dma_start3A_18 = arith.constant 0 : i32
      %dma_start3A_19 = tpu.memref_slice %arg12[%mul3A_2, %dma_start3A_18] : memref<10240x128xf32, #tpu.memory_space<vmem_shared>> -> memref<640x128xf32, #tpu.memory_space<vmem_shared>>
      tpu.enqueue_dma source(%dma_start3A_19 : memref<640x128xf32, #tpu.memory_space<vmem_shared>>) target(%dma_start3A_17 : memref<640x128xf32, #tpu.memory_space<hbm>>) target_semaphore(%run_scoped3A : memref<!tpu.dma_semaphore, #tpu.memory_space<semaphore_mem>>)
      %dma_wait3A = arith.constant 0 : i32
      %dma_wait3A_20 = tpu.memref_slice %arg6[%arg0, %mul3A_2, %dma_wait3A] : memref<2x10240x128xf32, #tpu.memory_space<hbm>> -> memref<1x640x128xf32, #tpu.memory_space<hbm>>
      %dma_wait3A_21 = tpu.memref_squeeze %dma_wait3A_20 : memref<1x640x128xf32, #tpu.memory_space<hbm>> -> memref<640x128xf32, #tpu.memory_space<hbm>>
      %dma_wait3A_22 = arith.constant 0 : i32
      %dma_wait3A_23 = tpu.memref_slice %arg12[%mul3A_2, %dma_wait3A_22] : memref<10240x128xf32, #tpu.memory_space<vmem_shared>> -> memref<640x128xf32, #tpu.memory_space<vmem_shared>>
      tpu.wait_dma2 semaphore(%run_scoped3A : memref<!tpu.dma_semaphore, #tpu.memory_space<semaphore_mem>>) src(%dma_wait3A_23 : memref<640x128xf32, #tpu.memory_space<vmem_shared>>) dst(%dma_wait3A_21 : memref<640x128xf32, #tpu.memory_space<hbm>>)
      tpu.yield
    }) : () -> ()
    "tpu.region"() ({
      %run_scoped3A = tpu.sem_alloc : memref<!tpu.dma_semaphore, #tpu.memory_space<semaphore_mem>>
      %dma_start3A = arith.constant 0 : i32
      %dma_start3A_16 = tpu.memref_slice %arg7[%add3A, %dma_start3A] : memref<32x10240xf32, #tpu.memory_space<hbm>> -> memref<1x10240xf32, #tpu.memory_space<hbm>>
      %dma_start3A_17 = tpu.memref_squeeze %dma_start3A_16 : memref<1x10240xf32, #tpu.memory_space<hbm>> -> memref<10240xf32, #tpu.memory_space<hbm>>
      %dma_start3A_18 = arith.constant 0 : i32
      %dma_start3A_19 = tpu.memref_slice %arg7[%add3A, %dma_start3A_18] : memref<32x10240xf32, #tpu.memory_space<hbm>> -> memref<1x10240xf32, #tpu.memory_space<hbm>>
      %dma_start3A_20 = tpu.memref_squeeze %dma_start3A_19 : memref<1x10240xf32, #tpu.memory_space<hbm>> -> memref<10240xf32, #tpu.memory_space<hbm>>
      tpu.enqueue_dma source(%arg11 : memref<10240xf32, #tpu.memory_space<vmem>>) target(%dma_start3A_20 : memref<10240xf32, #tpu.memory_space<hbm>>) target_semaphore(%run_scoped3A : memref<!tpu.dma_semaphore, #tpu.memory_space<semaphore_mem>>)
      %dma_wait3A = arith.constant 0 : i32
      %dma_wait3A_21 = tpu.memref_slice %arg7[%add3A, %dma_wait3A] : memref<32x10240xf32, #tpu.memory_space<hbm>> -> memref<1x10240xf32, #tpu.memory_space<hbm>>
      %dma_wait3A_22 = tpu.memref_squeeze %dma_wait3A_21 : memref<1x10240xf32, #tpu.memory_space<hbm>> -> memref<10240xf32, #tpu.memory_space<hbm>>
      %dma_wait3A_23 = arith.constant 0 : i32
      %dma_wait3A_24 = tpu.memref_slice %arg7[%add3A, %dma_wait3A_23] : memref<32x10240xf32, #tpu.memory_space<hbm>> -> memref<1x10240xf32, #tpu.memory_space<hbm>>
      %dma_wait3A_25 = tpu.memref_squeeze %dma_wait3A_24 : memref<1x10240xf32, #tpu.memory_space<hbm>> -> memref<10240xf32, #tpu.memory_space<hbm>>
      tpu.wait_dma2 semaphore(%run_scoped3A : memref<!tpu.dma_semaphore, #tpu.memory_space<semaphore_mem>>) src(%arg11 : memref<10240xf32, #tpu.memory_space<vmem>>) dst(%dma_wait3A_25 : memref<10240xf32, #tpu.memory_space<hbm>>)
      tpu.yield
    }) : () -> ()
    return
  }
}

#map = affine_map<(d0, d1) -> (0, 0)>
#map1 = affine_map<(d0, d1) -> (0, 0, 0)>
module attributes {stable_mosaic.version = 14 : i64} {
  func.func @body(%arg0: i32, %arg1: i32, %arg2: memref<10240x128xf32, #tpu.memory_space<hbm>>, %arg3: memref<32x79x128xi32, #tpu.memory_space<hbm>>, %arg4: memref<32x79x128xi32, #tpu.memory_space<hbm>>, %arg5: memref<640x128xf32, #tpu.memory_space<hbm>>, %arg6: memref<2x10240x128xf32, #tpu.memory_space<hbm>>, %arg7: memref<79x128xi32, #tpu.memory_space<vmem>>, %arg8: memref<79x128xi32, #tpu.memory_space<vmem>>, %arg9: memref<128x128xf32, #tpu.memory_space<vmem>>, %arg10: memref<10240xf32, #tpu.memory_space<vmem>>, %arg11: memref<10240x128xf32, #tpu.memory_space<vmem_shared>>) attributes {dimension_semantics = [#tpu.dimension_semantics<core_parallel>, #tpu.dimension_semantics<subcore_parallel>], iteration_bounds = array<i64: 2, 16>, scalar_prefetch = 0 : i64, scratch_operands = 5 : i64, tpu.core_type = #tpu.core_type<sc_vector_subcore>, window_params = [{transform_indices = #map}, {transform_indices = #map1}, {transform_indices = #map1}, {transform_indices = #map}, {transform_indices = #map1}]} {
    %mul3A = arith.constant 16 : i32
    %mul3A_0 = arith.muli %arg0, %mul3A : i32
    %add3A = arith.addi %mul3A_0, %arg1 : i32
    %mul3A_1 = arith.constant 640 : i32
    %mul3A_2 = arith.muli %arg1, %mul3A_1 : i32
    "tpu.region"() ({
      %run_scoped3A = tpu.sem_alloc : memref<!tpu.dma_semaphore, #tpu.memory_space<semaphore_mem>>
      %dma_start3A = arith.constant 0 : i32
      %dma_start3A_10 = tpu.memref_slice %arg11[%mul3A_2, %dma_start3A] : memref<10240x128xf32, #tpu.memory_space<vmem_shared>> -> memref<640x128xf32, #tpu.memory_space<vmem_shared>>
      tpu.enqueue_dma source(%arg5 : memref<640x128xf32, #tpu.memory_space<hbm>>) target(%dma_start3A_10 : memref<640x128xf32, #tpu.memory_space<vmem_shared>>) target_semaphore(%run_scoped3A : memref<!tpu.dma_semaphore, #tpu.memory_space<semaphore_mem>>)
      %dma_wait3A = arith.constant 0 : i32
      %dma_wait3A_11 = tpu.memref_slice %arg11[%mul3A_2, %dma_wait3A] : memref<10240x128xf32, #tpu.memory_space<vmem_shared>> -> memref<640x128xf32, #tpu.memory_space<vmem_shared>>
      tpu.wait_dma2 semaphore(%run_scoped3A : memref<!tpu.dma_semaphore, #tpu.memory_space<semaphore_mem>>) src(%arg5 : memref<640x128xf32, #tpu.memory_space<hbm>>) dst(%dma_wait3A_11 : memref<640x128xf32, #tpu.memory_space<vmem_shared>>)
      tpu.yield
    }) : () -> ()
    "tpu.region"() ({
      %run_scoped3A = tpu.sem_alloc : memref<!tpu.dma_semaphore, #tpu.memory_space<semaphore_mem>>
      %dma_start3A = arith.constant 0 : i32
      %dma_start3A_10 = arith.constant 0 : i32
      %dma_start3A_11 = tpu.memref_slice %arg3[%add3A, %dma_start3A, %dma_start3A_10] : memref<32x79x128xi32, #tpu.memory_space<hbm>> -> memref<1x79x128xi32, #tpu.memory_space<hbm>>
      %dma_start3A_12 = tpu.memref_squeeze %dma_start3A_11 : memref<1x79x128xi32, #tpu.memory_space<hbm>> -> memref<79x128xi32, #tpu.memory_space<hbm>>
      %dma_start3A_13 = arith.constant 0 : i32
      %dma_start3A_14 = arith.constant 0 : i32
      %dma_start3A_15 = tpu.memref_slice %arg3[%add3A, %dma_start3A_13, %dma_start3A_14] : memref<32x79x128xi32, #tpu.memory_space<hbm>> -> memref<1x79x128xi32, #tpu.memory_space<hbm>>
      %dma_start3A_16 = tpu.memref_squeeze %dma_start3A_15 : memref<1x79x128xi32, #tpu.memory_space<hbm>> -> memref<79x128xi32, #tpu.memory_space<hbm>>
      tpu.enqueue_dma source(%dma_start3A_16 : memref<79x128xi32, #tpu.memory_space<hbm>>) target(%arg7 : memref<79x128xi32, #tpu.memory_space<vmem>>) target_semaphore(%run_scoped3A : memref<!tpu.dma_semaphore, #tpu.memory_space<semaphore_mem>>)
      %dma_wait3A = arith.constant 0 : i32
      %dma_wait3A_17 = arith.constant 0 : i32
      %dma_wait3A_18 = tpu.memref_slice %arg3[%add3A, %dma_wait3A, %dma_wait3A_17] : memref<32x79x128xi32, #tpu.memory_space<hbm>> -> memref<1x79x128xi32, #tpu.memory_space<hbm>>
      %dma_wait3A_19 = tpu.memref_squeeze %dma_wait3A_18 : memref<1x79x128xi32, #tpu.memory_space<hbm>> -> memref<79x128xi32, #tpu.memory_space<hbm>>
      %dma_wait3A_20 = arith.constant 0 : i32
      %dma_wait3A_21 = arith.constant 0 : i32
      %dma_wait3A_22 = tpu.memref_slice %arg3[%add3A, %dma_wait3A_20, %dma_wait3A_21] : memref<32x79x128xi32, #tpu.memory_space<hbm>> -> memref<1x79x128xi32, #tpu.memory_space<hbm>>
      %dma_wait3A_23 = tpu.memref_squeeze %dma_wait3A_22 : memref<1x79x128xi32, #tpu.memory_space<hbm>> -> memref<79x128xi32, #tpu.memory_space<hbm>>
      tpu.wait_dma2 semaphore(%run_scoped3A : memref<!tpu.dma_semaphore, #tpu.memory_space<semaphore_mem>>) src(%dma_wait3A_23 : memref<79x128xi32, #tpu.memory_space<hbm>>) dst(%arg7 : memref<79x128xi32, #tpu.memory_space<vmem>>)
      tpu.yield
    }) : () -> ()
    "tpu.region"() ({
      %run_scoped3A = tpu.sem_alloc : memref<!tpu.dma_semaphore, #tpu.memory_space<semaphore_mem>>
      %dma_start3A = arith.constant 0 : i32
      %dma_start3A_10 = arith.constant 0 : i32
      %dma_start3A_11 = tpu.memref_slice %arg4[%add3A, %dma_start3A, %dma_start3A_10] : memref<32x79x128xi32, #tpu.memory_space<hbm>> -> memref<1x79x128xi32, #tpu.memory_space<hbm>>
      %dma_start3A_12 = tpu.memref_squeeze %dma_start3A_11 : memref<1x79x128xi32, #tpu.memory_space<hbm>> -> memref<79x128xi32, #tpu.memory_space<hbm>>
      %dma_start3A_13 = arith.constant 0 : i32
      %dma_start3A_14 = arith.constant 0 : i32
      %dma_start3A_15 = tpu.memref_slice %arg4[%add3A, %dma_start3A_13, %dma_start3A_14] : memref<32x79x128xi32, #tpu.memory_space<hbm>> -> memref<1x79x128xi32, #tpu.memory_space<hbm>>
      %dma_start3A_16 = tpu.memref_squeeze %dma_start3A_15 : memref<1x79x128xi32, #tpu.memory_space<hbm>> -> memref<79x128xi32, #tpu.memory_space<hbm>>
      tpu.enqueue_dma source(%dma_start3A_16 : memref<79x128xi32, #tpu.memory_space<hbm>>) target(%arg8 : memref<79x128xi32, #tpu.memory_space<vmem>>) target_semaphore(%run_scoped3A : memref<!tpu.dma_semaphore, #tpu.memory_space<semaphore_mem>>)
      %dma_wait3A = arith.constant 0 : i32
      %dma_wait3A_17 = arith.constant 0 : i32
      %dma_wait3A_18 = tpu.memref_slice %arg4[%add3A, %dma_wait3A, %dma_wait3A_17] : memref<32x79x128xi32, #tpu.memory_space<hbm>> -> memref<1x79x128xi32, #tpu.memory_space<hbm>>
      %dma_wait3A_19 = tpu.memref_squeeze %dma_wait3A_18 : memref<1x79x128xi32, #tpu.memory_space<hbm>> -> memref<79x128xi32, #tpu.memory_space<hbm>>
      %dma_wait3A_20 = arith.constant 0 : i32
      %dma_wait3A_21 = arith.constant 0 : i32
      %dma_wait3A_22 = tpu.memref_slice %arg4[%add3A, %dma_wait3A_20, %dma_wait3A_21] : memref<32x79x128xi32, #tpu.memory_space<hbm>> -> memref<1x79x128xi32, #tpu.memory_space<hbm>>
      %dma_wait3A_23 = tpu.memref_squeeze %dma_wait3A_22 : memref<1x79x128xi32, #tpu.memory_space<hbm>> -> memref<79x128xi32, #tpu.memory_space<hbm>>
      tpu.wait_dma2 semaphore(%run_scoped3A : memref<!tpu.dma_semaphore, #tpu.memory_space<semaphore_mem>>) src(%dma_wait3A_23 : memref<79x128xi32, #tpu.memory_space<hbm>>) dst(%arg8 : memref<79x128xi32, #tpu.memory_space<vmem>>)
      tpu.yield
    }) : () -> ()
    %barrier3A = arith.constant 0 : index
    tpu.barrier barrier_id(%barrier3A)
    %broadcast_in_dim3A = arith.constant 1.000000e+00 : f32
    %broadcast_in_dim3A_3 = vector.broadcast %broadcast_in_dim3A : f32 to vector<16xf32>
    %scan3A = arith.constant 0 : i32
    %scan3A_4 = arith.constant 0 : i32
    %scan3A_5 = arith.constant 79 : i32
    %scan3A_6 = arith.addi %scan3A_4, %scan3A_5 : i32
    %scan3A_7 = arith.constant 1 : i32
    scf.for %scan3A_10 = %scan3A_4 to %scan3A_6 step %scan3A_7  : i32 {
      "tpu.region"() ({
        %run_scoped3A = tpu.sem_alloc : memref<!tpu.dma_semaphore, #tpu.memory_space<semaphore_mem>>
        %dma_start3A = arith.constant 0 : i32
        %dma_start3A_11 = tpu.memref_slice %arg7[%scan3A_10, %dma_start3A] : memref<79x128xi32, #tpu.memory_space<vmem>> -> memref<1x128xi32, #tpu.memory_space<vmem>>
        %dma_start3A_12 = tpu.memref_squeeze %dma_start3A_11 : memref<1x128xi32, #tpu.memory_space<vmem>> -> memref<128xi32, #tpu.memory_space<vmem>>
        %dma_start3A_13 = arith.constant 0 : i32
        %dma_start3A_14 = arith.constant 0 : i32
        %dma_start3A_15 = tpu.memref_slice %arg2[%dma_start3A_13, %dma_start3A_14] : memref<10240x128xf32, #tpu.memory_space<hbm>> -> memref<10240x128xf32, #tpu.memory_space<hbm>>
        tpu.enqueue_indirect_dma source(%dma_start3A_15 : memref<10240x128xf32, #tpu.memory_space<hbm>>) target(%arg9 : memref<128x128xf32, #tpu.memory_space<vmem>>) offsets(%dma_start3A_12 : memref<128xi32, #tpu.memory_space<vmem>>) semaphore(%run_scoped3A : memref<!tpu.dma_semaphore, #tpu.memory_space<semaphore_mem>>)
        %dma_wait3A = arith.constant 0 : i32
        %dma_wait3A_16 = tpu.memref_slice %arg7[%scan3A_10, %dma_wait3A] : memref<79x128xi32, #tpu.memory_space<vmem>> -> memref<1x128xi32, #tpu.memory_space<vmem>>
        %dma_wait3A_17 = tpu.memref_squeeze %dma_wait3A_16 : memref<1x128xi32, #tpu.memory_space<vmem>> -> memref<128xi32, #tpu.memory_space<vmem>>
        %dma_wait3A_18 = arith.constant 0 : i32
        %dma_wait3A_19 = arith.constant 0 : i32
        %dma_wait3A_20 = tpu.memref_slice %arg2[%dma_wait3A_18, %dma_wait3A_19] : memref<10240x128xf32, #tpu.memory_space<hbm>> -> memref<10240x128xf32, #tpu.memory_space<hbm>>
        tpu.wait_indirect_dma semaphore(%run_scoped3A : memref<!tpu.dma_semaphore, #tpu.memory_space<semaphore_mem>>) src(%dma_wait3A_20 : memref<10240x128xf32, #tpu.memory_space<hbm>>) dst(%arg9 : memref<128x128xf32, #tpu.memory_space<vmem>>)
        tpu.yield
      }) : () -> ()
      "tpu.region"() ({
        %run_scoped3A = tpu.sem_alloc : memref<!tpu.dma_semaphore, #tpu.memory_space<semaphore_mem>>
        %dma_start3A = arith.constant 0 : i32
        %dma_start3A_11 = tpu.memref_slice %arg8[%scan3A_10, %dma_start3A] : memref<79x128xi32, #tpu.memory_space<vmem>> -> memref<1x128xi32, #tpu.memory_space<vmem>>
        %dma_start3A_12 = tpu.memref_squeeze %dma_start3A_11 : memref<1x128xi32, #tpu.memory_space<vmem>> -> memref<128xi32, #tpu.memory_space<vmem>>
        %dma_start3A_13 = arith.constant 0 : i32
        %dma_start3A_14 = arith.constant 0 : i32
        %dma_start3A_15 = tpu.memref_slice %arg11[%dma_start3A_13, %dma_start3A_14] : memref<10240x128xf32, #tpu.memory_space<vmem_shared>> -> memref<10240x128xf32, #tpu.memory_space<vmem_shared>>
        tpu.enqueue_indirect_dma source(%arg9 : memref<128x128xf32, #tpu.memory_space<vmem>>) target(%dma_start3A_15 : memref<10240x128xf32, #tpu.memory_space<vmem_shared>>) offsets(%dma_start3A_12 : memref<128xi32, #tpu.memory_space<vmem>>) semaphore(%run_scoped3A : memref<!tpu.dma_semaphore, #tpu.memory_space<semaphore_mem>>) {add = true}
        %dma_wait3A = arith.constant 0 : i32
        %dma_wait3A_16 = tpu.memref_slice %arg8[%scan3A_10, %dma_wait3A] : memref<79x128xi32, #tpu.memory_space<vmem>> -> memref<1x128xi32, #tpu.memory_space<vmem>>
        %dma_wait3A_17 = tpu.memref_squeeze %dma_wait3A_16 : memref<1x128xi32, #tpu.memory_space<vmem>> -> memref<128xi32, #tpu.memory_space<vmem>>
        %dma_wait3A_18 = arith.constant 0 : i32
        %dma_wait3A_19 = arith.constant 0 : i32
        %dma_wait3A_20 = tpu.memref_slice %arg11[%dma_wait3A_18, %dma_wait3A_19] : memref<10240x128xf32, #tpu.memory_space<vmem_shared>> -> memref<10240x128xf32, #tpu.memory_space<vmem_shared>>
        tpu.wait_indirect_dma semaphore(%run_scoped3A : memref<!tpu.dma_semaphore, #tpu.memory_space<semaphore_mem>>) src(%arg9 : memref<128x128xf32, #tpu.memory_space<vmem>>) dst(%dma_wait3A_20 : memref<10240x128xf32, #tpu.memory_space<vmem_shared>>)
        tpu.yield
      }) : () -> ()
    }
    %scan3A_8 = arith.constant 79 : i32
    %barrier3A_9 = arith.constant 0 : index
    tpu.barrier barrier_id(%barrier3A_9)
    "tpu.region"() ({
      %run_scoped3A = tpu.sem_alloc : memref<!tpu.dma_semaphore, #tpu.memory_space<semaphore_mem>>
      %dma_start3A = arith.constant 0 : i32
      %dma_start3A_10 = tpu.memref_slice %arg6[%arg0, %mul3A_2, %dma_start3A] : memref<2x10240x128xf32, #tpu.memory_space<hbm>> -> memref<1x640x128xf32, #tpu.memory_space<hbm>>
      %dma_start3A_11 = tpu.memref_squeeze %dma_start3A_10 : memref<1x640x128xf32, #tpu.memory_space<hbm>> -> memref<640x128xf32, #tpu.memory_space<hbm>>
      %dma_start3A_12 = arith.constant 0 : i32
      %dma_start3A_13 = tpu.memref_slice %arg11[%mul3A_2, %dma_start3A_12] : memref<10240x128xf32, #tpu.memory_space<vmem_shared>> -> memref<640x128xf32, #tpu.memory_space<vmem_shared>>
      tpu.enqueue_dma source(%dma_start3A_13 : memref<640x128xf32, #tpu.memory_space<vmem_shared>>) target(%dma_start3A_11 : memref<640x128xf32, #tpu.memory_space<hbm>>) target_semaphore(%run_scoped3A : memref<!tpu.dma_semaphore, #tpu.memory_space<semaphore_mem>>)
      %dma_wait3A = arith.constant 0 : i32
      %dma_wait3A_14 = tpu.memref_slice %arg6[%arg0, %mul3A_2, %dma_wait3A] : memref<2x10240x128xf32, #tpu.memory_space<hbm>> -> memref<1x640x128xf32, #tpu.memory_space<hbm>>
      %dma_wait3A_15 = tpu.memref_squeeze %dma_wait3A_14 : memref<1x640x128xf32, #tpu.memory_space<hbm>> -> memref<640x128xf32, #tpu.memory_space<hbm>>
      %dma_wait3A_16 = arith.constant 0 : i32
      %dma_wait3A_17 = tpu.memref_slice %arg11[%mul3A_2, %dma_wait3A_16] : memref<10240x128xf32, #tpu.memory_space<vmem_shared>> -> memref<640x128xf32, #tpu.memory_space<vmem_shared>>
      tpu.wait_dma2 semaphore(%run_scoped3A : memref<!tpu.dma_semaphore, #tpu.memory_space<semaphore_mem>>) src(%dma_wait3A_17 : memref<640x128xf32, #tpu.memory_space<vmem_shared>>) dst(%dma_wait3A_15 : memref<640x128xf32, #tpu.memory_space<hbm>>)
      tpu.yield
    }) : () -> ()
    return
  }
}

module attributes {stable_mosaic.version = 14 : i64} {
  func.func @_tc_layer_body(%arg0: i32, %arg1: memref<2x1024x128xf32, #tpu.memory_space<vmem>>, %arg2: memref<32x1024xf32, #tpu.memory_space<vmem>>, %arg3: memref<128x128xf32, #tpu.memory_space<vmem>>, %arg4: memref<1x128xf32, #tpu.memory_space<vmem>>, %arg5: memref<1024x128xf32, #tpu.memory_space<vmem>>) attributes {dimension_semantics = [#tpu.dimension_semantics<arbitrary>], iteration_bounds = array<i64: 10>, scalar_prefetch = 0 : i64, scratch_operands = 0 : i64, tpu.core_type = #tpu.core_type<tc>, window_params = [{transform_indices = @transform_0, window_bounds = array<i64: 2, 1024, 128>}, {transform_indices = @transform_1, window_bounds = array<i64: 32, 1024>}, {pipeline_mode = #tpu.pipeline_mode<synchronous>, transform_indices = @transform_2, window_bounds = array<i64: 128, 128>}, {pipeline_mode = #tpu.pipeline_mode<synchronous>, transform_indices = @transform_3, window_bounds = array<i64: 1, 128>}, {transform_indices = @transform_4, window_bounds = array<i64: 1024, 128>}]} {
    %get3A = arith.constant 0 : index
    %get3A_0 = arith.constant 0 : index
    %get3A_1 = arith.constant 0 : index
    %get3A_2 = vector.load %arg1[%get3A, %get3A_0, %get3A_1] : memref<2x1024x128xf32, #tpu.memory_space<vmem>>, vector<1x1024x128xf32>
    %get3A_3 = vector.shape_cast %get3A_2 : vector<1x1024x128xf32> to vector<1024x128xf32>
    %get3A_4 = arith.constant 1 : index
    %get3A_5 = arith.constant 0 : index
    %get3A_6 = arith.constant 0 : index
    %get3A_7 = vector.load %arg1[%get3A_4, %get3A_5, %get3A_6] : memref<2x1024x128xf32, #tpu.memory_space<vmem>>, vector<1x1024x128xf32>
    %get3A_8 = vector.shape_cast %get3A_7 : vector<1x1024x128xf32> to vector<1024x128xf32>
    %add3A = arith.addf %get3A_3, %get3A_8 : vector<1024x128xf32>
    %get3A_9 = arith.constant 0 : index
    %get3A_10 = arith.constant 0 : index
    %get3A_11 = vector.load %arg2[%get3A_9, %get3A_10] : memref<32x1024xf32, #tpu.memory_space<vmem>>, vector<32x1024xf32>
    %reduce_sum3A = arith.constant dense<0.000000e+00> : vector<1024xf32>
    %reduce_sum3A_12 = vector.multi_reduction <add>, %get3A_11, %reduce_sum3A [0] : vector<32x1024xf32> to vector<1024xf32>
    %max3A = arith.constant 1.000000e+00 : f32
    %max3A_13 = vector.broadcast %max3A : f32 to vector<1024xf32>
    %max3A_14 = arith.maximumf %reduce_sum3A_12, %max3A_13 : vector<1024xf32>
    %div3A = arith.constant 1.000000e+00 : f32
    %div3A_15 = vector.broadcast %div3A : f32 to vector<1024xf32>
    %div3A_16 = arith.divf %div3A_15, %max3A_14 : vector<1024xf32>
    %broadcast_in_dim3A = vector.shape_cast %div3A_16 : vector<1024xf32> to vector<1024x1xf32>
    %mul3A = vector.broadcast %broadcast_in_dim3A : vector<1024x1xf32> to vector<1024x128xf32>
    %mul3A_17 = arith.mulf %add3A, %mul3A : vector<1024x128xf32>
    %get3A_18 = arith.constant 0 : index
    %get3A_19 = arith.constant 0 : index
    %get3A_20 = vector.load %arg3[%get3A_18, %get3A_19] : memref<128x128xf32, #tpu.memory_space<vmem>>, vector<128x128xf32>
    %dot_general3A = arith.constant dense<0.000000e+00> : vector<1024x128xf32>
    %dot_general3A_21 = tpu.matmul %mul3A_17, %get3A_20, %dot_general3A {dimension_numbers = #tpu.dot_dimension_numbers<[1], [0], [0], [1], [0, 0, 1, 1], [], []>, transpose_lhs_hint = false} : vector<1024x128xf32>, vector<128x128xf32>, vector<1024x128xf32> -> vector<1024x128xf32>
    %get3A_22 = arith.constant 0 : index
    %get3A_23 = arith.constant 0 : index
    %get3A_24 = vector.load %arg4[%get3A_22, %get3A_23] : memref<1x128xf32, #tpu.memory_space<vmem>>, vector<1x128xf32>
    %add3A_25 = vector.broadcast %get3A_24 : vector<1x128xf32> to vector<1024x128xf32>
    %add3A_26 = arith.addf %dot_general3A_21, %add3A_25 : vector<1024x128xf32>
    %max3A_27 = arith.constant 0.000000e+00 : f32
    %max3A_28 = vector.broadcast %max3A_27 : f32 to vector<1024x128xf32>
    %max3A_29 = arith.maximumf %add3A_26, %max3A_28 : vector<1024x128xf32>
    %swap3A = arith.constant 0 : index
    %swap3A_30 = arith.constant 0 : index
    %swap3A_31 = vector.load %arg5[%swap3A, %swap3A_30] : memref<1024x128xf32, #tpu.memory_space<vmem>>, vector<1024x128xf32>
    tpu.vector_store %arg5[%swap3A, %swap3A_30], %max3A_29 {strides = array<i32>} : memref<1024x128xf32, #tpu.memory_space<vmem>>, vector<1024x128xf32>,
    return
  }
  func.func @transform_0(%arg0: i32) -> (i32, i32, i32) {
    %c0_i32 = arith.constant 0 : i32
    %c0_i32_0 = arith.constant 0 : i32
    %c0_i32_1 = arith.constant 0 : i32
    return %c0_i32, %arg0, %c0_i32_0 : i32, i32, i32
  }
  func.func @transform_1(%arg0: i32) -> (i32, i32) {
    %c0_i32 = arith.constant 0 : i32
    %c0_i32_0 = arith.constant 0 : i32
    return %c0_i32, %arg0 : i32, i32
  }
  func.func @transform_2(%arg0: i32) -> (i32, i32) {
    %c0_i32 = arith.constant 0 : i32
    %c0_i32_0 = arith.constant 0 : i32
    %c0_i32_1 = arith.constant 0 : i32
    return %c0_i32, %c0_i32_0 : i32, i32
  }
  func.func @transform_3(%arg0: i32) -> (i32, i32) {
    %c0_i32 = arith.constant 0 : i32
    %c0_i32_0 = arith.constant 0 : i32
    %c0_i32_1 = arith.constant 0 : i32
    return %c0_i32, %c0_i32_0 : i32, i32
  }
  func.func @transform_4(%arg0: i32) -> (i32, i32) {
    %c0_i32 = arith.constant 0 : i32
    %c0_i32_0 = arith.constant 0 : i32
    return %arg0, %c0_i32 : i32, i32
  }
}

module attributes {stable_mosaic.version = 14 : i64} {
  func.func @_tc_final_body(%arg0: i32, %arg1: memref<2x1024x128xf32, #tpu.memory_space<vmem>>, %arg2: memref<32x1024xf32, #tpu.memory_space<vmem>>, %arg3: memref<128x128xf32, #tpu.memory_space<vmem>>, %arg4: memref<1x128xf32, #tpu.memory_space<vmem>>, %arg5: memref<1x1x1024xi32, #tpu.memory_space<vmem>>, %arg6: memref<128x128xf32, #tpu.memory_space<vmem>>, %arg7: memref<1x128xf32, #tpu.memory_space<vmem>>, %arg8: memref<64x128xf32, #tpu.memory_space<vmem>>, %arg9: memref<64x128xf32, #tpu.memory_space<vmem>>, %arg10: memref<64x128xf32, #tpu.memory_space<vmem>>) attributes {dimension_semantics = [#tpu.dimension_semantics<arbitrary>], iteration_bounds = array<i64: 10>, scalar_prefetch = 0 : i64, scratch_operands = 2 : i64, tpu.core_type = #tpu.core_type<tc>, window_params = [{transform_indices = @transform_0, window_bounds = array<i64: 2, 1024, 128>}, {transform_indices = @transform_1, window_bounds = array<i64: 32, 1024>}, {pipeline_mode = #tpu.pipeline_mode<synchronous>, transform_indices = @transform_2, window_bounds = array<i64: 128, 128>}, {pipeline_mode = #tpu.pipeline_mode<synchronous>, transform_indices = @transform_3, window_bounds = array<i64: 1, 128>}, {transform_indices = @transform_4, window_bounds = array<i64: 1, 1, 1024>}, {pipeline_mode = #tpu.pipeline_mode<synchronous>, transform_indices = @transform_5, window_bounds = array<i64: 128, 128>}, {pipeline_mode = #tpu.pipeline_mode<synchronous>, transform_indices = @transform_6, window_bounds = array<i64: 1, 128>}, {pipeline_mode = #tpu.pipeline_mode<synchronous>, transform_indices = @transform_7, window_bounds = array<i64: 64, 128>}]} {
    %eq3A = arith.constant 0 : i32
    %eq3A_0 = arith.cmpi eq, %arg0, %eq3A : i32
    %convert_element_type3A = arith.extui %eq3A_0 : i1 to i32
    %cond3A = arith.constant 0 : i32
    %cond3A_1 = arith.cmpi ne, %convert_element_type3A, %cond3A : i32
    scf.if %cond3A_1 {
      %broadcast_in_dim3A_66 = arith.constant 0.000000e+00 : f32
      %broadcast_in_dim3A_67 = vector.broadcast %broadcast_in_dim3A_66 : f32 to vector<64x128xf32>
      %swap3A_68 = arith.constant 0 : index
      %swap3A_69 = arith.constant 0 : index
      %swap3A_70 = vector.load %arg9[%swap3A_68, %swap3A_69] : memref<64x128xf32, #tpu.memory_space<vmem>>, vector<64x128xf32>
      tpu.vector_store %arg9[%swap3A_68, %swap3A_69], %broadcast_in_dim3A_67 {strides = array<i32>} : memref<64x128xf32, #tpu.memory_space<vmem>>, vector<64x128xf32>,
      %broadcast_in_dim3A_71 = arith.constant 0.000000e+00 : f32
      %broadcast_in_dim3A_72 = vector.broadcast %broadcast_in_dim3A_71 : f32 to vector<64x128xf32>
      %swap3A_73 = arith.constant 0 : index
      %swap3A_74 = arith.constant 0 : index
      %swap3A_75 = vector.load %arg10[%swap3A_73, %swap3A_74] : memref<64x128xf32, #tpu.memory_space<vmem>>, vector<64x128xf32>
      tpu.vector_store %arg10[%swap3A_73, %swap3A_74], %broadcast_in_dim3A_72 {strides = array<i32>} : memref<64x128xf32, #tpu.memory_space<vmem>>, vector<64x128xf32>,
    } else {
    }
    %get3A = arith.constant 0 : index
    %get3A_2 = arith.constant 0 : index
    %get3A_3 = arith.constant 0 : index
    %get3A_4 = vector.load %arg1[%get3A, %get3A_2, %get3A_3] : memref<2x1024x128xf32, #tpu.memory_space<vmem>>, vector<1x1024x128xf32>
    %get3A_5 = vector.shape_cast %get3A_4 : vector<1x1024x128xf32> to vector<1024x128xf32>
    %get3A_6 = arith.constant 1 : index
    %get3A_7 = arith.constant 0 : index
    %get3A_8 = arith.constant 0 : index
    %get3A_9 = vector.load %arg1[%get3A_6, %get3A_7, %get3A_8] : memref<2x1024x128xf32, #tpu.memory_space<vmem>>, vector<1x1024x128xf32>
    %get3A_10 = vector.shape_cast %get3A_9 : vector<1x1024x128xf32> to vector<1024x128xf32>
    %add3A = arith.addf %get3A_5, %get3A_10 : vector<1024x128xf32>
    %get3A_11 = arith.constant 0 : index
    %get3A_12 = arith.constant 0 : index
    %get3A_13 = vector.load %arg2[%get3A_11, %get3A_12] : memref<32x1024xf32, #tpu.memory_space<vmem>>, vector<32x1024xf32>
    %reduce_sum3A = arith.constant dense<0.000000e+00> : vector<1024xf32>
    %reduce_sum3A_14 = vector.multi_reduction <add>, %get3A_13, %reduce_sum3A [0] : vector<32x1024xf32> to vector<1024xf32>
    %max3A = arith.constant 1.000000e+00 : f32
    %max3A_15 = vector.broadcast %max3A : f32 to vector<1024xf32>
    %max3A_16 = arith.maximumf %reduce_sum3A_14, %max3A_15 : vector<1024xf32>
    %div3A = arith.constant 1.000000e+00 : f32
    %div3A_17 = vector.broadcast %div3A : f32 to vector<1024xf32>
    %div3A_18 = arith.divf %div3A_17, %max3A_16 : vector<1024xf32>
    %broadcast_in_dim3A = vector.shape_cast %div3A_18 : vector<1024xf32> to vector<1024x1xf32>
    %mul3A = vector.broadcast %broadcast_in_dim3A : vector<1024x1xf32> to vector<1024x128xf32>
    %mul3A_19 = arith.mulf %add3A, %mul3A : vector<1024x128xf32>
    %get3A_20 = arith.constant 0 : index
    %get3A_21 = arith.constant 0 : index
    %get3A_22 = vector.load %arg3[%get3A_20, %get3A_21] : memref<128x128xf32, #tpu.memory_space<vmem>>, vector<128x128xf32>
    %dot_general3A = arith.constant dense<0.000000e+00> : vector<1024x128xf32>
    %dot_general3A_23 = tpu.matmul %mul3A_19, %get3A_22, %dot_general3A {dimension_numbers = #tpu.dot_dimension_numbers<[1], [0], [0], [1], [0, 0, 1, 1], [], []>, transpose_lhs_hint = false} : vector<1024x128xf32>, vector<128x128xf32>, vector<1024x128xf32> -> vector<1024x128xf32>
    %get3A_24 = arith.constant 0 : index
    %get3A_25 = arith.constant 0 : index
    %get3A_26 = vector.load %arg4[%get3A_24, %get3A_25] : memref<1x128xf32, #tpu.memory_space<vmem>>, vector<1x128xf32>
    %add3A_27 = vector.broadcast %get3A_26 : vector<1x128xf32> to vector<1024x128xf32>
    %add3A_28 = arith.addf %dot_general3A_23, %add3A_27 : vector<1024x128xf32>
    %max3A_29 = arith.constant 0.000000e+00 : f32
    %max3A_30 = vector.broadcast %max3A_29 : f32 to vector<1024x128xf32>
    %max3A_31 = arith.maximumf %add3A_28, %max3A_30 : vector<1024x128xf32>
    %get3A_32 = arith.constant 0 : index
    %get3A_33 = arith.constant 0 : index
    %get3A_34 = arith.constant 0 : index
    %get3A_35 = vector.load %arg5[%get3A_32, %get3A_33, %get3A_34] : memref<1x1x1024xi32, #tpu.memory_space<vmem>>, vector<1x1x1024xi32>
    %get3A_36 = vector.shape_cast %get3A_35 : vector<1x1x1024xi32> to vector<1024xi32>
    %broadcast_in_dim3A_37 = vector.shape_cast %get3A_36 : vector<1024xi32> to vector<1x1024xi32>
    %iota3A = tpu.iota {dimensions = array<i32: 0>} : vector<64x1024xi32>
    %eq3A_38 = vector.broadcast %broadcast_in_dim3A_37 : vector<1x1024xi32> to vector<64x1024xi32>
    %eq3A_39 = arith.cmpi eq, %eq3A_38, %iota3A : vector<64x1024xi32>
    %convert_element_type3A_40 = arith.extui %eq3A_39 : vector<64x1024xi1> to vector<64x1024xi32>
    %convert_element_type3A_41 = arith.sitofp %convert_element_type3A_40 : vector<64x1024xi32> to vector<64x1024xf32>
    %get3A_42 = arith.constant 0 : index
    %get3A_43 = arith.constant 0 : index
    %get3A_44 = vector.load %arg9[%get3A_42, %get3A_43] : memref<64x128xf32, #tpu.memory_space<vmem>>, vector<64x128xf32>
    %dot_general3A_45 = arith.constant dense<0.000000e+00> : vector<64x128xf32>
    %dot_general3A_46 = tpu.matmul %convert_element_type3A_41, %max3A_31, %dot_general3A_45 {dimension_numbers = #tpu.dot_dimension_numbers<[1], [0], [0], [1], [0, 0, 1, 1], [], []>, transpose_lhs_hint = false} : vector<64x1024xf32>, vector<1024x128xf32>, vector<64x128xf32> -> vector<64x128xf32>
    %add3A_47 = arith.addf %get3A_44, %dot_general3A_46 : vector<64x128xf32>
    %swap3A = arith.constant 0 : index
    %swap3A_48 = arith.constant 0 : index
    %swap3A_49 = vector.load %arg9[%swap3A, %swap3A_48] : memref<64x128xf32, #tpu.memory_space<vmem>>, vector<64x128xf32>
    tpu.vector_store %arg9[%swap3A, %swap3A_48], %add3A_47 {strides = array<i32>} : memref<64x128xf32, #tpu.memory_space<vmem>>, vector<64x128xf32>,
    %get3A_50 = arith.constant 0 : index
    %get3A_51 = arith.constant 0 : index
    %get3A_52 = vector.load %arg10[%get3A_50, %get3A_51] : memref<64x128xf32, #tpu.memory_space<vmem>>, vector<64x128xf32>
    %broadcast_in_dim3A_53 = arith.constant 1.000000e+00 : f32
    %broadcast_in_dim3A_54 = vector.broadcast %broadcast_in_dim3A_53 : f32 to vector<1024x128xf32>
    %dot_general3A_55 = arith.constant dense<0.000000e+00> : vector<64x128xf32>
    %dot_general3A_56 = tpu.matmul %convert_element_type3A_41, %broadcast_in_dim3A_54, %dot_general3A_55 {dimension_numbers = #tpu.dot_dimension_numbers<[1], [0], [0], [1], [0, 0, 1, 1], [], []>, transpose_lhs_hint = false} : vector<64x1024xf32>, vector<1024x128xf32>, vector<64x128xf32> -> vector<64x128xf32>
    %add3A_57 = arith.addf %get3A_52, %dot_general3A_56 : vector<64x128xf32>
    %swap3A_58 = arith.constant 0 : index
    %swap3A_59 = arith.constant 0 : index
    %swap3A_60 = vector.load %arg10[%swap3A_58, %swap3A_59] : memref<64x128xf32, #tpu.memory_space<vmem>>, vector<64x128xf32>
    tpu.vector_store %arg10[%swap3A_58, %swap3A_59], %add3A_57 {strides = array<i32>} : memref<64x128xf32, #tpu.memory_space<vmem>>, vector<64x128xf32>,
    %eq3A_61 = arith.constant 9 : i32
    %eq3A_62 = arith.cmpi eq, %arg0, %eq3A_61 : i32
    %convert_element_type3A_63 = arith.extui %eq3A_62 : i1 to i32
    %cond3A_64 = arith.constant 0 : i32
    %cond3A_65 = arith.cmpi ne, %convert_element_type3A_63, %cond3A_64 : i32
    scf.if %cond3A_65 {
      %get3A_66 = arith.constant 0 : index
      %get3A_67 = arith.constant 0 : index
      %get3A_68 = vector.load %arg10[%get3A_66, %get3A_67] : memref<64x128xf32, #tpu.memory_space<vmem>>, vector<64x128xf32>
      %get3A_69 = arith.constant 0 : index
      %get3A_70 = arith.constant 0 : index
      %get3A_71 = vector.load %arg9[%get3A_69, %get3A_70] : memref<64x128xf32, #tpu.memory_space<vmem>>, vector<64x128xf32>
      %max3A_72 = arith.constant 1.000000e+00 : f32
      %max3A_73 = vector.broadcast %max3A_72 : f32 to vector<64x128xf32>
      %max3A_74 = arith.maximumf %get3A_68, %max3A_73 : vector<64x128xf32>
      %div3A_75 = arith.divf %get3A_71, %max3A_74 : vector<64x128xf32>
      %slice3A = vector.extract_strided_slice %get3A_68 {offsets = [0, 0], sizes = [64, 1], strides = [1, 1]} : vector<64x128xf32> to vector<64x1xf32>
      %gt3A = arith.constant 0.000000e+00 : f32
      %gt3A_76 = vector.broadcast %gt3A : f32 to vector<64x1xf32>
      %gt3A_77 = arith.cmpf ogt, %slice3A, %gt3A_76 : vector<64x1xf32>
      %convert_element_type3A_78 = arith.extui %gt3A_77 : vector<64x1xi1> to vector<64x1xi32>
      %convert_element_type3A_79 = arith.sitofp %convert_element_type3A_78 : vector<64x1xi32> to vector<64x1xf32>
      %get3A_80 = arith.constant 0 : index
      %get3A_81 = arith.constant 0 : index
      %get3A_82 = vector.load %arg6[%get3A_80, %get3A_81] : memref<128x128xf32, #tpu.memory_space<vmem>>, vector<128x128xf32>
      %dot_general3A_83 = arith.constant dense<0.000000e+00> : vector<64x128xf32>
      %dot_general3A_84 = tpu.matmul %div3A_75, %get3A_82, %dot_general3A_83 {dimension_numbers = #tpu.dot_dimension_numbers<[1], [0], [0], [1], [0, 0, 1, 1], [], []>, transpose_lhs_hint = false} : vector<64x128xf32>, vector<128x128xf32>, vector<64x128xf32> -> vector<64x128xf32>
      %get3A_85 = arith.constant 0 : index
      %get3A_86 = arith.constant 0 : index
      %get3A_87 = vector.load %arg7[%get3A_85, %get3A_86] : memref<1x128xf32, #tpu.memory_space<vmem>>, vector<1x128xf32>
      %mul3A_88 = vector.broadcast %get3A_87 : vector<1x128xf32> to vector<64x128xf32>
      %mul3A_89 = vector.broadcast %convert_element_type3A_79 : vector<64x1xf32> to vector<64x128xf32>
      %mul3A_90 = arith.mulf %mul3A_88, %mul3A_89 : vector<64x128xf32>
      %add3A_91 = arith.addf %dot_general3A_84, %mul3A_90 : vector<64x128xf32>
      %swap3A_92 = arith.constant 0 : index
      %swap3A_93 = arith.constant 0 : index
      %swap3A_94 = vector.load %arg8[%swap3A_92, %swap3A_93] : memref<64x128xf32, #tpu.memory_space<vmem>>, vector<64x128xf32>
      tpu.vector_store %arg8[%swap3A_92, %swap3A_93], %add3A_91 {strides = array<i32>} : memref<64x128xf32, #tpu.memory_space<vmem>>, vector<64x128xf32>,
    } else {
    }
    return
  }
  func.func @transform_0(%arg0: i32) -> (i32, i32, i32) {
    %c0_i32 = arith.constant 0 : i32
    %c0_i32_0 = arith.constant 0 : i32
    %c0_i32_1 = arith.constant 0 : i32
    return %c0_i32, %arg0, %c0_i32_0 : i32, i32, i32
  }
  func.func @transform_1(%arg0: i32) -> (i32, i32) {
    %c0_i32 = arith.constant 0 : i32
    %c0_i32_0 = arith.constant 0 : i32
    return %c0_i32, %arg0 : i32, i32
  }
  func.func @transform_2(%arg0: i32) -> (i32, i32) {
    %c0_i32 = arith.constant 0 : i32
    %c0_i32_0 = arith.constant 0 : i32
    %c0_i32_1 = arith.constant 0 : i32
    return %c0_i32, %c0_i32_0 : i32, i32
  }
  func.func @transform_3(%arg0: i32) -> (i32, i32) {
    %c0_i32 = arith.constant 0 : i32
    %c0_i32_0 = arith.constant 0 : i32
    %c0_i32_1 = arith.constant 0 : i32
    return %c0_i32, %c0_i32_0 : i32, i32
  }
  func.func @transform_4(%arg0: i32) -> (i32, i32, i32) {
    %c0_i32 = arith.constant 0 : i32
    %c0_i32_0 = arith.constant 0 : i32
    %c0_i32_1 = arith.constant 0 : i32
    return %arg0, %c0_i32, %c0_i32_0 : i32, i32, i32
  }
  func.func @transform_5(%arg0: i32) -> (i32, i32) {
    %c0_i32 = arith.constant 0 : i32
    %c0_i32_0 = arith.constant 0 : i32
    %c0_i32_1 = arith.constant 0 : i32
    return %c0_i32, %c0_i32_0 : i32, i32
  }
  func.func @transform_6(%arg0: i32) -> (i32, i32) {
    %c0_i32 = arith.constant 0 : i32
    %c0_i32_0 = arith.constant 0 : i32
    %c0_i32_1 = arith.constant 0 : i32
    return %c0_i32, %c0_i32_0 : i32, i32
  }
  func.func @transform_7(%arg0: i32) -> (i32, i32) {
    %c0_i32 = arith.constant 0 : i32
    %c0_i32_0 = arith.constant 0 : i32
    %c0_i32_1 = arith.constant 0 : i32
    return %c0_i32, %c0_i32_0 : i32, i32
  }
}

</mosaic_0001>

<sc_bundles>
// kernel: kernel.6.cloned.1.call-start
scs
__scs_entry_jumppad:
0x0: {  	(pc) =	sbr.rel $0x88, $3  }
0x1: {  	(tag) =	ssettag $0x0;
	lr =	simm.s32 $0x1  }
0x2: {  	[smem:$0x3F98] =	sst lr;
	_ =	strace $0xD0000000  }
0x3: {  	_ = 	snop  }
0x4: {  	_ = 	snop  }
0x5: {  	_ = 	snop  }
0x6: {  	_ = 	snop  }
0x7: {  	_ = 	snop  }
__scs_overlays_trampoline_lowered:
0x8: {  	[smem:$0x3FA7] =	sst s0  }
0x9: {  	[smem:$0x3FA8] =	sst s1  }
0xa: {  	[smem:$0x3FA9] =	sst s2  }
0xb: {  	[smem:$0x3FAA] =	sst s3  }
0xc: {  	[smem:$0x3FAB] =	sst s4  }
0xd: {  	[smem:$0x3FAC] =	sst s5  }
0xe: {  	[smem:$0x3FAD] =	sst s6  }
0xf: {  	[smem:$0x3FAE] =	sst s7  }
0x10: {  	[smem:$0x3FAF] =	sst s8  }
0x11: {  	[smem:$0x3FB0] =	sst s9;
	s0 =	simm.s32 @!p0 $0x0  }
0x12: {  	s1 =	sld [smem:$0x3F96];
	s0 =	simm.s32 @p0 $0x1  }
0x13: {  	[smem:$0x3FB1] =	sst s0;
	s0 =	simm.s32 @!p1 $0x0  }
0x14: {  	s2 =	sld [smem:$0x3F95];
	s0 =	simm.s32 @p1 $0x1  }
0x15: {  	[smem:$0x3FB2] =	sst s0;
	s0 =	simm.s32 @!p2 $0x0  }
0x16: {  	s3 =	sld [smem:$0x3FDB];
	s0 =	simm.s32 @p2 $0x1  }
0x17: {  	s4 =	simm.s32 $0x1BF5;
	[smem:$0x3FB4] =	sst s0  }
0x18: {  	s0 =	sld [smem:$0x3F97];
	_ =	swait.ge [sflag:s4], $0x0  }
0x19: {  	s7 =	sld [smem:$0x3F98]  }
0x1a: {  	s8 =	sadd.s32 $0xFFFFE003, lr  }
0x1b: {  	s9 =	sadd.s32 $0xFFFFFEF7, lr;
	s5 =	simm.s32 $0xFFFFFFFF;
	p2 =	slt.u32 s8, $0xFFFFF086  }
0x1c: {  	p1 =	slt.u32 s9, $0xF7A;
	s5 =	simm.s32 @!p2 $0x0  }
0x1d: {  	s5 =	simm.s32 @p1 $0x1;
	p0 =	seq.s32 s7, s2  }
0x1e: {  	s7 =	smul.u32 @!p0 $0xF7A, s2;
	p2 =	seq.s32 @!p0 s5, $0x0  }
0x1f: {  	s9 =	smul.u32 $0xF7A, s1;
	s8 =	simm.s32 @!p0 $0x1BF5;
	p2 =	por !p2, p0  }
0x20: {  	[sflag:s8] =	ssyncset.s32 @!p0 $0xFFFFF086;
	s6 =	sadd.s32 @!p0 s3, s7;
	s7 =	simm.s32 @!p0 $0x108  }
0x21: {  	s3 =	sadd.s32 s3, s9;
	s6 =	sadd.s32 @!p0 $0x88, s6;
	s7 =	simm.s32 @p2 $0x1082  }
0x22: {  	[simem:s7], [sflag:s8] =	dma.local @!p0 [hbm:s6], $0xF7A  }
0x23: {  	s9 =	sor.u32 $0xD0000000, s2;
	s6 =	simm.s32 $0x108;
	_ =	swait.ge @!p0 [sflag:s8], $0x0  }
0x24: {  	s3 =	sadd.s32 $0x88, s3;
	s6 =	simm.s32 @!p1 $0x1082;
	[sflag:s4] =	ssyncset.s32 $0xFFFFF086  }
0x25: {  	[simem:s6], [sflag:s4] =	dma.local [hbm:s3], $0xF7A  }
0x26: {  	[smem:$0x3F98] =	sst s1;
	(tag) =	ssettag s2;
	_ =	strace s9  }
0x27: {  	s1 =	sld [smem:$0x3FA8]  }
0x28: {  	s2 =	sld [smem:$0x3FA9]  }
0x29: {  	s4 =	sld [smem:$0x3FAB]  }
0x2a: {  	p0 =	seq.s32 s5, $0x0;
	s5 =	sld [smem:$0x3FAC]  }
0x2b: {  	s6 =	sld [smem:$0x3FAD]  }
0x2c: {  	s7 =	sld [smem:$0x3FAE]  }
0x2d: {  	s3 =	simm.s32 $0x108;
	s8 =	sld [smem:$0x3FAF]  }
0x2e: {  	s3 =	simm.s32 @!p0 $0x1082;
	s9 =	sld [smem:$0x3FB0]  }
0x2f: {  	lr =	sadd.s32 s0, s3;
	s0 =	sld [smem:$0x3FA7]  }
0x30: {  	s3 =	sld [smem:$0x3FAA]  }
0x31: {  	[smem:$0x3FB3] =	sst s10  }
0x32: {  	s10 =	sld [smem:$0x3FB1];
	_ =	sdelay $0x3  }
0x33: {  	p0 =	seq.s32 s10, $0x1;
	s10 =	sld [smem:$0x3FB3];
	_ =	sdelay $0x3  }
0x34: {  	[smem:$0x3FB3] =	sst s10  }
0x35: {  	s10 =	sld [smem:$0x3FB2];
	_ =	sdelay $0x3  }
0x36: {  	p1 =	seq.s32 s10, $0x1;
	s10 =	sld [smem:$0x3FB3];
	_ =	sdelay $0x3  }
0x37: {  	[smem:$0x3FB3] =	sst s10  }
0x38: {  	s10 =	sld [smem:$0x3FB4]  }
0x39: {  	_ = 	snop;
	(pc) =	sbr.ind lr, $3  }
0x3a: {  	_ = 	snop  }
0x3b: {  	_ = 	snop  }
0x3c: {  	p2 =	seq.s32 s10, $0x1;
	s10 =	sld [smem:$0x3FB3]  }
0x3d: {  	_ =	shalt  }
0x3e: {  	_ =	shalt  }
0x3f: {  	_ =	shalt  }
0x40: {  	_ =	shalt  }
0x41: {  	_ =	shalt  }
0x42: {  	_ =	shalt  }
0x43: {  	_ =	shalt  }
0x44: {  	_ =	shalt  }
0x45: {  	_ =	shalt  }
0x46: {  	_ =	shalt  }
0x47: {  	_ =	shalt  }
0x48: {  	_ =	shalt  }
0x49: {  	_ =	shalt  }
0x4a: {  	_ =	shalt  }
0x4b: {  	_ =	shalt  }
0x4c: {  	_ =	shalt  }
0x4d: {  	_ =	shalt  }
0x4e: {  	_ =	shalt  }
0x4f: {  	_ =	shalt  }
0x50: {  	_ =	shalt  }
0x51: {  	_ =	shalt  }
0x52: {  	_ =	shalt  }
0x53: {  	_ =	shalt  }
0x54: {  	_ =	shalt  }
0x55: {  	_ =	shalt  }
0x56: {  	_ =	shalt  }
0x57: {  	_ =	shalt  }
0x58: {  	_ =	shalt  }
0x59: {  	_ =	shalt  }
0x5a: {  	_ =	shalt  }
0x5b: {  	_ =	shalt  }
0x5c: {  	_ =	shalt  }
0x5d: {  	_ =	shalt  }
0x5e: {  	_ =	shalt  }
0x5f: {  	_ =	shalt  }
0x60: {  	_ =	shalt  }
0x61: {  	_ =	shalt  }
0x62: {  	_ =	shalt  }
0x63: {  	_ =	shalt  }
0x64: {  	_ =	shalt  }
0x65: {  	_ =	shalt  }
0x66: {  	_ =	shalt  }
0x67: {  	_ =	shalt  }
0x68: {  	_ =	shalt  }
0x69: {  	_ =	shalt  }
0x6a: {  	_ =	shalt  }
0x6b: {  	_ =	shalt  }
0x6c: {  	_ =	shalt  }
0x6d: {  	_ =	shalt  }
0x6e: {  	_ =	shalt  }
0x6f: {  	_ =	shalt  }
0x70: {  	_ =	shalt  }
0x71: {  	_ =	shalt  }
0x72: {  	_ =	shalt  }
0x73: {  	_ =	shalt  }
0x74: {  	_ =	shalt  }
0x75: {  	_ =	shalt  }
0x76: {  	_ =	shalt  }
0x77: {  	_ =	shalt  }
0x78: {  	_ =	shalt  }
0x79: {  	_ =	shalt  }
0x7a: {  	_ =	shalt  }
0x7b: {  	_ =	shalt  }
0x7c: {  	_ =	shalt  }
0x7d: {  	_ =	shalt  }
0x7e: {  	_ =	shalt  }
0x7f: {  	_ =	shalt  }
0x80: {  	_ =	shalt  }
0x81: {  	_ =	shalt  }
0x82: {  	_ =	shalt  }
0x83: {  	_ =	shalt  }
0x84: {  	_ =	shalt  }
0x85: {  	_ =	shalt  }
0x86: {  	_ =	shalt  }
0x87: {  	_ =	shalt  }
.Lfunc_end0:
.L_simem_size_0:
called_computation_lowered:
.L_overlay_start_0:
0x88: {  	s2 =	sld [smem:$0x3FD9]  }
0x89: {  	s3 =	sld [smem:$0x3FFE];
	_ =	sdelay $0x1  }
0x8a: {  	s1 =	srdreg.scid  }
0x8b: {  	s0 =	sand.u32 $0x1, s1  }
0x8c: {  	s17 =	sshll.u32 s0, $0xA;
	s2 =	sadd.s32 s3, s2  }
0x8d: {  	s2 =	sadd.s32 s2, s17  }
0x8e: {  	[smem:$0x3FBF] =	sst s2  }
0x8f: {  	_ = 	snop  }
0x90: {  	s2 =	sld [smem:$0x3FC9];
	(tm) =	ssettm $0x1  }
0x91: {  	s18 =	sld [smem:$0x3FFB];
	_ =	sdelay $0x3  }
0x92: {  	_ =	strace s18  }
0x93: {  	s3 =	sld [smem:$0x3FFC];
	_ =	sdelay $0x3  }
0x94: {  	_ =	strace s3  }
0x95: {  	s3 =	sld [smem:$0x3FFD];
	_ =	sdelay $0x3  }
0x96: {  	_ =	strace s3  }
0x97: {  	_ =	strace $0x8FFFFFFF  }
0x98: {  	s19 =	sld [smem:$0x3FDB];
	_ =	sdelay $0x1  }
0x99: {  	s4 =	simm.s32 $_scs_section_size  }
0x9a: {  	s5 =	simm.s32 $_size__tile_overlayer_lowered;
	s6 =	simm.s32 $_tile_overlayer_lowered  }
0x9b: {  	s22 =	simm.s32 $0x1BFF;
	s21 =	sshll.u32 s6, $0x1;
	s3 =	sadd.s32 s4, s19  }
0x9c: {  	s7 =	simm.s32 $0x0;
	s20 =	sshll.u32 s5, $0x1;
	s5 =	sadd.s32 s21, s3  }
0x9d: {  	[timem:s7], [sflag:s22] =	dma.local [hbm:s5], s20  }
0x9e: {  	_ =	swait.ge [sflag:s22], s20  }
0x9f: {  	s4 =	ssub.s32 $0x0, s20;
	[sflag:s22] =	ssyncset.done $0x0  }
0xa0: {  	[sflag:s22] =	ssyncadd.s32 s4;
	_ =	sdelay $0x1  }
0xa1: {  	s23 =	simm.s32 $0x1B8B  }
0xa2: {  	_ =	swait.ge [sflag:s23], $0x1  }
0xa3: {  	[sflag:s23] =	ssyncset.done $0x0  }
0xa4: {  	s25 =	simm.s32 $0x1B8E;
	s24 =	sld [smem:$0x3FFE];
	[sflag:s23] =	ssyncadd.s32 $0xFFFFFFFF  }
0xa5: {  	s26 =	simm.s32 $execute0_lowered;
	[smem:$0x3FD2] =	sst s25  }
0xa6: {  	s5 =	sshll.u32 s26, $0x1;
	_ =	strace $0x80000046;
	[dreg:$0x1] =	wrdreg $0xFFFFFFFF  }
0xa7: {  	s28 =	simm.s32 $_size_execute0_lowered;
	s3 =	sadd.s32 s3, s5;
	[dreg:$0x0] =	wrdreg $0x0  }
0xa8: {  	s5 =	sshll.u32 s28, $0x1;
	[dreg:$0x2] =	wrdreg s3  }
0xa9: {  	[dreg:$0x3] =	wrdreg s5  }
0xaa: {  	[dreg:$0x4] =	wrdreg $0xC0  }
0xab: {  	_ =	task [dreg:s7], $0x5FFFF  }
0xac: {  	[dreg:$0x1] =	wrdreg $0xFFFFFFFF  }
0xad: {  	[dreg:$0x0] =	wrdreg $0x60  }
0xae: {  	[dreg:$0x2] =	wrdreg s2  }
0xaf: {  	[dreg:$0x3] =	wrdreg s24  }
0xb0: {  	[dreg:$0x4] =	wrdreg $0xB8000  }
0xb1: {  	[dreg:$0x5] =	wrdreg $0x9  }
0xb2: {  	_ =	task.clear_ibuf [dreg:s7], $0x6FFFF;
	_ =	strace $0x90000046  }
0xb3: {  	s29 =	simm.s32 $0x9;
	_ =	strace $0x80000048  }
0xb4: {  	_ =	swait.ge [sflag:s29], $0x1  }
0xb5: {  	[sflag:s29] =	ssyncadd.s32 $0xFFFFFFFF  }
0xb6: {  	_ =	strace $0x90000048  }
0xb7: {  	_ =	sfence  }
0xb8: {  	s30 =	sld [smem:$0x0];
	_ =	sdelay $0x2  }
0xb9: {  	s31 =	sshll.u32 s1, $0xD;
	s1 =	sshrl.u32 s1, $0x2  }
0xba: {  	s3 =	sand.u32 $0x4000, s31;
	s1 =	sadd.s32 s1, s30  }
0xbb: {  	s0 =	sor.u32 s3, s0;
	s1 =	sshll.u32 s1, $0x11  }
0xbc: {  	s0 =	sor.u32 s1, s0  }
0xbd: {  	s0 =	sadd.s32 $0x8F2B, s0  }
0xbe: {  	[sflag:s0] =	ssyncadd.remote.s32 $0x1  }
0xbf: {  	_ =	sfence.sel $0xFFFF  }
0xc0: {  	[dreg:$0x0] =	wrdreg $0xFFFFFFFF;
	(pc) =	sbr.abs _section_cstart, $3  }
0xc1: {  	[dreg:$0x1] =	wrdreg $0xFFFFFFFF  }
0xc2: {  	_ =	task.clear_ibuf [dreg:s7], $0x2FFFF;
	_ =	strace $0x9FFFFFFF  }
0xc3: {  	(tm) =	ssettm $0x7FFFFFFF  }
tec
execute0_lowered:
.L_overlay_start_1:
0x0: {  	(tag) =	ssettag $0x1  }
0x1: {  	s1 =	rddreg [dreg:$0x0]  }
0x2: {  	s7 =	rddreg [dreg:$0x1]  }
0x3: {  	s0 =	srdreg.scid;
	s3 =	rddreg [dreg:$0x2];
	s4 =	simm.s32 $0x0  }
0x4: {  	s15 =	simm.s32 $0x80;
	s16 =	simm.s32 $0x5000;
	s6 =	sand.u32 $0x1, s0  }
0x5: {  	s17 =	simm.s32 $0x9000;
	s0 =	stileid.u32;
	s9 =	smul.u32 $0x140000, s6  }
0x6: {  	s18 =	simm.s32 $0x400;
	[smem:$0x7FF] =	sst s4;
	s10 =	smul.u32 $0x14000, s0  }
0x7: {  	s2 =	sshll.u32 s6, $0x4;
	s26 =	sshll.u32 s0, $0x7;
	s29 =	smul.u32 $0x50000, s0  }
0x8: {  	s6 =	ssub.s32 $0x2, s6;
	s31 =	sshll.u32 s0, $0x6;
	s5 =	sor.u32 s0, s2  }
0x9: {  	s2 =	rddreg [dreg:$0x3];
	_ =	strace $0x80000047;
	s12 =	sand.u32 $0x380, s26  }
0xa: {  	s30 =	sshrl.u32 s6, $0x1;
	s8 =	smul.u32 $0x500, s5;
	s5 =	sshrl.u32 s5, $0x3  }
0xb: {  	s9 =	sadd.s32 s10, s9;
	s13 =	ssub.s32 s6, s30;
	s11 =	smul.u32 $0x14000, s5  }
0xc: {  	s6 =	sor.u32 $0x1C01, s31;
	s5 =	sadd.s32 $0x15C00, s7;
	s9 =	sshrl.u32 s9, $0x3  }
0xd: {  	s8 =	sadd.s32 s8, s7;
	s9 =	sadd.s32 s9, s7;
	s28 =	sor.u32 s12, s11  }
0xe: {  	s11 =	sshrl.u32 s29, $0x2;
	s9 =	sadd.s32 $0x18400, s9;
	s10 =	sshrl.u32 s28, $0x3  }
0xf: {  	s14 =	sadd.s32 s11, s3;
	s11 =	smax.u32 s13, $0x1;
	s13 =	simm.s32 $0x1  }
0x10: {  	s10 =	sadd.s32 s10, s7;
	s7 =	sadd.s32 $0xBC00, s8;
	s8 =	sadd.s32 $0x1C00, s8  }
0x11: {  	v0 =	vimm.f32 $0.0e+00;
	v1 =	vimm.f32 $1.000000000e+00;
	s12 =	sshrl.u32 s14, $0x3;
	s14 =	simm.s32 $0x2800;
	s10 =	sadd.s32 $0x68400, s10  }
.LBB2_1:
0x12: {  	[spmem:s12], [sflag:s6] =	dma.local [hbm:s5], $0x2800  }
0x13: {  	_ =	swait.ge [sflag:s13], $0x2800  }
0x14: {  	[sflag:s13] =	ssyncset.done $0x0  }
0x15: {  	s19 =	simm.s32 $0x40;
	s20 =	simm.s32 $0x0;
	[sflag:s13] =	ssyncadd.s32 $0xFFFFD800  }
.LBB2_2:
0x16: {  	p0 =	sne.s32 s19, $0x9FC0;
	[tilespmem:s20+$0x9000] =	vst v0;
	s20 =	smov.u32 s19;
	s19 =	sadd.s32 $0x40, s19  }
.Ltmp0:
0x17: {  	(pc) =	sbr.rel @p0 .LBB2_2-.Ltmp0, $2  }
0x18: {  	_ =	sdelay $0x2  }
0x19: {  	s20 =	sshra.s32 s20, $0x2  }
0x1a: {  	[tilespmem:s20+$0x9000] =	vst v0;
	s19 =	simm.s32 $0x0  }
0x1b: {  	[tilespmem:s19], [sflag:$0x1] =	stream.linear.gather [hbm4b:s7+s19], $0x2780, $0x38;
	[tilespmem:$0x1F800] =	vst v63  }
0x1c: {  	_ =	swait.ge [sflag:s13], $0x2780  }
0x1d: {  	[sflag:s13] =	ssyncset.done $0x0  }
0x1e: {  	[sflag:s13] =	ssyncadd.s32 $0xFFFFD880  }
0x1f: {  	[tilespmem:s14], [sflag:$0x1] =	stream.linear.gather [hbm4b:s8+s19], $0x2780, $0x38;
	[tilespmem:$0x1F800] =	vst v63  }
0x20: {  	_ =	swait.ge [sflag:s13], $0x2780  }
0x21: {  	[sflag:s13] =	ssyncset.done $0x0  }
0x22: {  	[sflag:s13] =	ssyncadd.s32 $0xFFFFD880  }
0x23: {  	[bflag:$0x0] =	sbarrier.arrive $0xFFFF  }
.LBB2_4:
0x24: {  	s20 =	sshra.s32 s19, $0x2  }
0x25: {  	[tilespmem:s16], [sflag:$0x1] =	stream.indirect.gather [hbm4b:s1+s15], $0x80, s20, s15, $0xb8;
	[tilespmem:$0x1F800] =	vst v63  }
0x26: {  	_ =	swait.ge [sflag:s13], $0x4000  }
0x27: {  	[sflag:s13] =	ssyncset.done $0x0  }
0x28: {  	s21 =	sadd.s32 $0x2800, s20;
	[sflag:s13] =	ssyncadd.s32 $0xFFFFC000  }
0x29: {  	[spmem:s3] =	stream.indirect.scatter.add.f32 [tilespmem:s16], [sflag:$0x1], $0x80, s21, s15, $0xb8;
	[tilespmem:$0x1F800] =	vst v63  }
0x2a: {  	_ =	swait.ge [sflag:s13], $0x4000  }
0x2b: {  	[sflag:s13] =	ssyncset.done $0x0  }
0x2c: {  	[sflag:s13] =	ssyncadd.s32 $0xFFFFC000  }
0x2d: {  	v2 =	vld [tilespmem:s20+$0x2800];
	_ =	sdelay $0x7  }
0x2e: {  	[tilespmem:v2+s17+$0x0] =	vst.idx.add.f32.msk $0xffff, v1  }
0x2f: {  	v2 =	vld [tilespmem:s20+$0x2810];
	_ =	sdelay $0x7  }
0x30: {  	[tilespmem:v2+s17+$0x0] =	vst.idx.add.f32.msk $0xffff, v1  }
0x31: {  	v2 =	vld [tilespmem:s20+$0x2820];
	_ =	sdelay $0x7  }
0x32: {  	[tilespmem:v2+s17+$0x0] =	vst.idx.add.f32.msk $0xffff, v1  }
0x33: {  	v2 =	vld [tilespmem:s20+$0x2830];
	_ =	sdelay $0x7  }
0x34: {  	[tilespmem:v2+s17+$0x0] =	vst.idx.add.f32.msk $0xffff, v1  }
0x35: {  	v2 =	vld [tilespmem:s20+$0x2840];
	_ =	sdelay $0x7  }
0x36: {  	[tilespmem:v2+s17+$0x0] =	vst.idx.add.f32.msk $0xffff, v1  }
0x37: {  	v2 =	vld [tilespmem:s20+$0x2850];
	_ =	sdelay $0x7  }
0x38: {  	[tilespmem:v2+s17+$0x0] =	vst.idx.add.f32.msk $0xffff, v1  }
0x39: {  	v2 =	vld [tilespmem:s20+$0x2860];
	_ =	sdelay $0x7  }
0x3a: {  	[tilespmem:v2+s17+$0x0] =	vst.idx.add.f32.msk $0xffff, v1  }
0x3b: {  	v2 =	vld [tilespmem:s20+$0x2870];
	_ =	sdelay $0x2  }
0x3c: {  	p0 =	sne.s32 s19, $0x9C00  }
.Ltmp1:
0x3d: {  	_ = 	snop;
	(pc) =	sbr.rel @p0 .LBB2_4-.Ltmp1, $2  }
0x3e: {  	_ =	sdelay $0x2  }
0x3f: {  	s19 =	sadd.s32 $0x200, s19;
	[tilespmem:v2+s17+$0x0] =	vst.idx.add.f32.msk $0xffff, v1  }
0x40: {  	[bflag:$0x0] =	sbarrier.arrive $0xFFFF  }
0x41: {  	[hbm:s9], [sflag:s6] =	dma.local [spmem:s12], $0x2800  }
0x42: {  	s4 =	sadd.s32 $0x1, s4;
	_ =	swait.ge [sflag:s13], $0x2800  }
0x43: {  	p0 =	sne.s32 s4, s11;
	[sflag:s13] =	ssyncset.done $0x0  }
.Ltmp2:
0x44: {  	[sflag:s13] =	ssyncadd.s32 $0xFFFFD800;
	(pc) =	sbr.rel @p0 .LBB2_1-.Ltmp2, $4  }
0x45: {  	[hbm4b:s10+s15] =	stream.strided.scatter [tilespmem:s17], [sflag:$0x1], $0x2800, s18, s15, $0x38;
	[tilespmem:$0x1F800] =	vst v63  }
0x46: {  	_ =	swait.ge [sflag:s13], $0x2800  }
0x47: {  	[sflag:s13] =	ssyncset.done $0x0  }
0x48: {  	[sflag:s13] =	ssyncadd.s32 $0xFFFFD800  }
0x49: {  	_ =	sfence.sel $0x180000  }
0x4a: {  	[bflag:$0x0] =	sbarrier.arrive $0xFFFF  }
0x4b: {  	p0 =	sne.s32 s0, $0x0;
	_ =	strace $0x90000047  }
0x4c: {  	s0 =	sadd.s32 @!p0 $0x100000, s2;
	[bflag:$0x2] =	sbarrier.arrive $0xFFFF  }
0x4d: {  	[sflag:s0] =	ssyncadd.tile.s32 @!p0 $0x1;
	_ =	shalt  }
.Lfunc_end2:
_tile_overlayer_lowered:
.L_overlay_start_2:
0x4e: {  	(tag) =	ssettag $0x2  }
0x4f: {  	s0 =	rddreg [dreg:$0x0];
	s2 =	stileid.u32  }
0x50: {  	s1 =	rddreg [dreg:$0x1];
	p0 =	sne.s32 s2, $0x0  }
0x51: {  	s3 =	rddreg [dreg:$0x2];
	[bflag:$0x3] =	sbarrier.arrive $0xFFFF;
	s2 =	simm.s32 @!p0 $0x1C01  }
0x52: {  	[timem:s3], [sflag:s2] =	dma.local @!p0 [hbm:s0], s1  }
0x53: {  	s0 =	simm.s32 @!p0 $0x1  }
0x54: {  	_ =	swait.ge @!p0 [sflag:s0], s1  }
0x55: {  	s1 =	ssub.s32 @!p0 $0x0, s1;
	[sflag:s0] =	ssyncset.done @!p0 $0x0  }
0x56: {  	[sflag:s0] =	ssyncadd.s32 @!p0 s1  }
0x57: {  	[bflag:$0x3] =	sbarrier.arrive $0xFFFF  }
0x58: {  	_ =	shalt  }

// kernel: kernel.9.cloned.1.call-start
scs
__scs_entry_jumppad:
0x0: {  	(pc) =	sbr.rel $0x88, $3  }
0x1: {  	(tag) =	ssettag $0x0;
	lr =	simm.s32 $0x1  }
0x2: {  	[smem:$0x3F98] =	sst lr;
	_ =	strace $0xD0000000  }
0x3: {  	_ = 	snop  }
0x4: {  	_ = 	snop  }
0x5: {  	_ = 	snop  }
0x6: {  	_ = 	snop  }
0x7: {  	_ = 	snop  }
__scs_overlays_trampoline_lowered:
0x8: {  	[smem:$0x3FA7] =	sst s0  }
0x9: {  	[smem:$0x3FA8] =	sst s1  }
0xa: {  	[smem:$0x3FA9] =	sst s2  }
0xb: {  	[smem:$0x3FAA] =	sst s3  }
0xc: {  	[smem:$0x3FAB] =	sst s4  }
0xd: {  	[smem:$0x3FAC] =	sst s5  }
0xe: {  	[smem:$0x3FAD] =	sst s6  }
0xf: {  	[smem:$0x3FAE] =	sst s7  }
0x10: {  	[smem:$0x3FAF] =	sst s8  }
0x11: {  	[smem:$0x3FB0] =	sst s9;
	s0 =	simm.s32 @!p0 $0x0  }
0x12: {  	s1 =	sld [smem:$0x3F96];
	s0 =	simm.s32 @p0 $0x1  }
0x13: {  	[smem:$0x3FB1] =	sst s0;
	s0 =	simm.s32 @!p1 $0x0  }
0x14: {  	s2 =	sld [smem:$0x3F95];
	s0 =	simm.s32 @p1 $0x1  }
0x15: {  	[smem:$0x3FB2] =	sst s0;
	s0 =	simm.s32 @!p2 $0x0  }
0x16: {  	s3 =	sld [smem:$0x3FDB];
	s0 =	simm.s32 @p2 $0x1  }
0x17: {  	s4 =	simm.s32 $0x1BF5;
	[smem:$0x3FB4] =	sst s0  }
0x18: {  	s0 =	sld [smem:$0x3F97];
	_ =	swait.ge [sflag:s4], $0x0  }
0x19: {  	s7 =	sld [smem:$0x3F98]  }
0x1a: {  	s8 =	sadd.s32 $0xFFFFE003, lr  }
0x1b: {  	s9 =	sadd.s32 $0xFFFFFEF7, lr;
	s5 =	simm.s32 $0xFFFFFFFF;
	p2 =	slt.u32 s8, $0xFFFFF086  }
0x1c: {  	p1 =	slt.u32 s9, $0xF7A;
	s5 =	simm.s32 @!p2 $0x0  }
0x1d: {  	s5 =	simm.s32 @p1 $0x1;
	p0 =	seq.s32 s7, s2  }
0x1e: {  	s7 =	smul.u32 @!p0 $0xF7A, s2;
	p2 =	seq.s32 @!p0 s5, $0x0  }
0x1f: {  	s9 =	smul.u32 $0xF7A, s1;
	s8 =	simm.s32 @!p0 $0x1BF5;
	p2 =	por !p2, p0  }
0x20: {  	[sflag:s8] =	ssyncset.s32 @!p0 $0xFFFFF086;
	s6 =	sadd.s32 @!p0 s3, s7;
	s7 =	simm.s32 @!p0 $0x108  }
0x21: {  	s3 =	sadd.s32 s3, s9;
	s6 =	sadd.s32 @!p0 $0x88, s6;
	s7 =	simm.s32 @p2 $0x1082  }
0x22: {  	[simem:s7], [sflag:s8] =	dma.local @!p0 [hbm:s6], $0xF7A  }
0x23: {  	s9 =	sor.u32 $0xD0000000, s2;
	s6 =	simm.s32 $0x108;
	_ =	swait.ge @!p0 [sflag:s8], $0x0  }
0x24: {  	s3 =	sadd.s32 $0x88, s3;
	s6 =	simm.s32 @!p1 $0x1082;
	[sflag:s4] =	ssyncset.s32 $0xFFFFF086  }
0x25: {  	[simem:s6], [sflag:s4] =	dma.local [hbm:s3], $0xF7A  }
0x26: {  	[smem:$0x3F98] =	sst s1;
	(tag) =	ssettag s2;
	_ =	strace s9  }
0x27: {  	s1 =	sld [smem:$0x3FA8]  }
0x28: {  	s2 =	sld [smem:$0x3FA9]  }
0x29: {  	s4 =	sld [smem:$0x3FAB]  }
0x2a: {  	p0 =	seq.s32 s5, $0x0;
	s5 =	sld [smem:$0x3FAC]  }
0x2b: {  	s6 =	sld [smem:$0x3FAD]  }
0x2c: {  	s7 =	sld [smem:$0x3FAE]  }
0x2d: {  	s3 =	simm.s32 $0x108;
	s8 =	sld [smem:$0x3FAF]  }
0x2e: {  	s3 =	simm.s32 @!p0 $0x1082;
	s9 =	sld [smem:$0x3FB0]  }
0x2f: {  	lr =	sadd.s32 s0, s3;
	s0 =	sld [smem:$0x3FA7]  }
0x30: {  	s3 =	sld [smem:$0x3FAA]  }
0x31: {  	[smem:$0x3FB3] =	sst s10  }
0x32: {  	s10 =	sld [smem:$0x3FB1];
	_ =	sdelay $0x3  }
0x33: {  	p0 =	seq.s32 s10, $0x1;
	s10 =	sld [smem:$0x3FB3];
	_ =	sdelay $0x3  }
0x34: {  	[smem:$0x3FB3] =	sst s10  }
0x35: {  	s10 =	sld [smem:$0x3FB2];
	_ =	sdelay $0x3  }
0x36: {  	p1 =	seq.s32 s10, $0x1;
	s10 =	sld [smem:$0x3FB3];
	_ =	sdelay $0x3  }
0x37: {  	[smem:$0x3FB3] =	sst s10  }
0x38: {  	s10 =	sld [smem:$0x3FB4]  }
0x39: {  	_ = 	snop;
	(pc) =	sbr.ind lr, $3  }
0x3a: {  	_ = 	snop  }
0x3b: {  	_ = 	snop  }
0x3c: {  	p2 =	seq.s32 s10, $0x1;
	s10 =	sld [smem:$0x3FB3]  }
0x3d: {  	_ =	shalt  }
0x3e: {  	_ =	shalt  }
0x3f: {  	_ =	shalt  }
0x40: {  	_ =	shalt  }
0x41: {  	_ =	shalt  }
0x42: {  	_ =	shalt  }
0x43: {  	_ =	shalt  }
0x44: {  	_ =	shalt  }
0x45: {  	_ =	shalt  }
0x46: {  	_ =	shalt  }
0x47: {  	_ =	shalt  }
0x48: {  	_ =	shalt  }
0x49: {  	_ =	shalt  }
0x4a: {  	_ =	shalt  }
0x4b: {  	_ =	shalt  }
0x4c: {  	_ =	shalt  }
0x4d: {  	_ =	shalt  }
0x4e: {  	_ =	shalt  }
0x4f: {  	_ =	shalt  }
0x50: {  	_ =	shalt  }
0x51: {  	_ =	shalt  }
0x52: {  	_ =	shalt  }
0x53: {  	_ =	shalt  }
0x54: {  	_ =	shalt  }
0x55: {  	_ =	shalt  }
0x56: {  	_ =	shalt  }
0x57: {  	_ =	shalt  }
0x58: {  	_ =	shalt  }
0x59: {  	_ =	shalt  }
0x5a: {  	_ =	shalt  }
0x5b: {  	_ =	shalt  }
0x5c: {  	_ =	shalt  }
0x5d: {  	_ =	shalt  }
0x5e: {  	_ =	shalt  }
0x5f: {  	_ =	shalt  }
0x60: {  	_ =	shalt  }
0x61: {  	_ =	shalt  }
0x62: {  	_ =	shalt  }
0x63: {  	_ =	shalt  }
0x64: {  	_ =	shalt  }
0x65: {  	_ =	shalt  }
0x66: {  	_ =	shalt  }
0x67: {  	_ =	shalt  }
0x68: {  	_ =	shalt  }
0x69: {  	_ =	shalt  }
0x6a: {  	_ =	shalt  }
0x6b: {  	_ =	shalt  }
0x6c: {  	_ =	shalt  }
0x6d: {  	_ =	shalt  }
0x6e: {  	_ =	shalt  }
0x6f: {  	_ =	shalt  }
0x70: {  	_ =	shalt  }
0x71: {  	_ =	shalt  }
0x72: {  	_ =	shalt  }
0x73: {  	_ =	shalt  }
0x74: {  	_ =	shalt  }
0x75: {  	_ =	shalt  }
0x76: {  	_ =	shalt  }
0x77: {  	_ =	shalt  }
0x78: {  	_ =	shalt  }
0x79: {  	_ =	shalt  }
0x7a: {  	_ =	shalt  }
0x7b: {  	_ =	shalt  }
0x7c: {  	_ =	shalt  }
0x7d: {  	_ =	shalt  }
0x7e: {  	_ =	shalt  }
0x7f: {  	_ =	shalt  }
0x80: {  	_ =	shalt  }
0x81: {  	_ =	shalt  }
0x82: {  	_ =	shalt  }
0x83: {  	_ =	shalt  }
0x84: {  	_ =	shalt  }
0x85: {  	_ =	shalt  }
0x86: {  	_ =	shalt  }
0x87: {  	_ =	shalt  }
.Lfunc_end0:
.L_simem_size_0:
called_computation.1_lowered:
.L_overlay_start_0:
0x88: {  	s2 =	sld [smem:$0x3FD9]  }
0x89: {  	s3 =	sld [smem:$0x3FFE];
	_ =	sdelay $0x1  }
0x8a: {  	s1 =	srdreg.scid  }
0x8b: {  	s0 =	sand.u32 $0x1, s1  }
0x8c: {  	s16 =	sshll.u32 s0, $0xA;
	s2 =	sadd.s32 s3, s2  }
0x8d: {  	s2 =	sadd.s32 s2, s16  }
0x8e: {  	[smem:$0x3FBF] =	sst s2  }
0x8f: {  	_ = 	snop  }
0x90: {  	(tm) =	ssettm $0x1  }
0x91: {  	s17 =	sld [smem:$0x3FFB];
	_ =	sdelay $0x3  }
0x92: {  	_ =	strace s17  }
0x93: {  	s2 =	sld [smem:$0x3FFC];
	_ =	sdelay $0x3  }
0x94: {  	_ =	strace s2  }
0x95: {  	s2 =	sld [smem:$0x3FFD];
	_ =	sdelay $0x3  }
0x96: {  	_ =	strace s2  }
0x97: {  	_ =	strace $0x8FFFFFFF  }
0x98: {  	s18 =	sld [smem:$0x3FDB];
	_ =	sdelay $0x1  }
0x99: {  	s19 =	simm.s32 $_scs_section_size  }
0x9a: {  	s4 =	simm.s32 $_size__tile_overlayer_lowered;
	s5 =	simm.s32 $_tile_overlayer_lowered  }
0x9b: {  	s22 =	simm.s32 $0x1BFF;
	s21 =	sshll.u32 s5, $0x1;
	s2 =	sadd.s32 s19, s18  }
0x9c: {  	s6 =	simm.s32 $0x0;
	s20 =	sshll.u32 s4, $0x1;
	s4 =	sadd.s32 s21, s2  }
0x9d: {  	[timem:s6], [sflag:s22] =	dma.local [hbm:s4], s20  }
0x9e: {  	_ =	swait.ge [sflag:s22], s20  }
0x9f: {  	s3 =	ssub.s32 $0x0, s20;
	[sflag:s22] =	ssyncset.done $0x0  }
0xa0: {  	[sflag:s22] =	ssyncadd.s32 s3;
	_ =	sdelay $0x1  }
0xa1: {  	s23 =	simm.s32 $0x1B8B  }
0xa2: {  	_ =	swait.ge [sflag:s23], $0x1  }
0xa3: {  	[sflag:s23] =	ssyncset.done $0x0  }
0xa4: {  	s25 =	simm.s32 $0x1B8E;
	s24 =	sld [smem:$0x3FFE];
	[sflag:s23] =	ssyncadd.s32 $0xFFFFFFFF  }
0xa5: {  	s26 =	simm.s32 $execute0_lowered;
	[smem:$0x3FD2] =	sst s25  }
0xa6: {  	s4 =	sshll.u32 s26, $0x1;
	_ =	strace $0x80000049;
	[dreg:$0x1] =	wrdreg $0xFFFFFFFF  }
0xa7: {  	s28 =	simm.s32 $_size_execute0_lowered;
	s2 =	sadd.s32 s2, s4;
	[dreg:$0x0] =	wrdreg $0x0  }
0xa8: {  	s4 =	sshll.u32 s28, $0x1;
	[dreg:$0x2] =	wrdreg s2  }
0xa9: {  	[dreg:$0x3] =	wrdreg s4  }
0xaa: {  	[dreg:$0x4] =	wrdreg $0xC0  }
0xab: {  	_ =	task [dreg:s6], $0x5FFFF  }
0xac: {  	[dreg:$0x1] =	wrdreg $0xFFFFFFFF  }
0xad: {  	[dreg:$0x0] =	wrdreg $0x60  }
0xae: {  	[dreg:$0x2] =	wrdreg s24  }
0xaf: {  	[dreg:$0x3] =	wrdreg $0x90000  }
0xb0: {  	[dreg:$0x4] =	wrdreg $0x9  }
0xb1: {  	_ =	task.clear_ibuf [dreg:s6], $0x5FFFF;
	_ =	strace $0x90000049  }
0xb2: {  	s29 =	simm.s32 $0x9;
	_ =	strace $0x8000004B  }
0xb3: {  	_ =	swait.ge [sflag:s29], $0x1  }
0xb4: {  	[sflag:s29] =	ssyncadd.s32 $0xFFFFFFFF  }
0xb5: {  	_ =	strace $0x9000004B  }
0xb6: {  	_ =	sfence  }
0xb7: {  	s30 =	sld [smem:$0x0];
	_ =	sdelay $0x2  }
0xb8: {  	s31 =	sshll.u32 s1, $0xD;
	s1 =	sshrl.u32 s1, $0x2  }
0xb9: {  	s3 =	sand.u32 $0x4000, s31;
	s1 =	sadd.s32 s1, s30  }
0xba: {  	s0 =	sor.u32 s3, s0;
	s1 =	sshll.u32 s1, $0x11  }
0xbb: {  	s0 =	sor.u32 s1, s0  }
0xbc: {  	s0 =	sadd.s32 $0x8F2B, s0  }
0xbd: {  	[sflag:s0] =	ssyncadd.remote.s32 $0x1  }
0xbe: {  	_ =	sfence.sel $0xFFFF  }
0xbf: {  	[dreg:$0x0] =	wrdreg $0xFFFFFFFF;
	(pc) =	sbr.abs _section_cstart, $3  }
0xc0: {  	[dreg:$0x1] =	wrdreg $0xFFFFFFFF  }
0xc1: {  	_ =	task.clear_ibuf [dreg:s6], $0x2FFFF;
	_ =	strace $0x9FFFFFFF  }
0xc2: {  	(tm) =	ssettm $0x7FFFFFFF  }
0xc3: {  	_ =	shalt  }
tec
execute0_lowered:
.L_overlay_start_1:
0x0: {  	(tag) =	ssettag $0x1  }
0x1: {  	s0 =	srdreg.scid;
	s6 =	rddreg [dreg:$0x0]  }
0x2: {  	s2 =	rddreg [dreg:$0x1];
	s3 =	simm.s32 $0x0;
	s14 =	simm.s32 $0x80  }
0x3: {  	s15 =	simm.s32 $0x5000;
	s5 =	sand.u32 $0x1, s0;
	s0 =	stileid.u32  }
0x4: {  	s16 =	simm.s32 $0x0;
	[smem:$0x7FF] =	sst s3;
	s8 =	smul.u32 $0x140000, s5  }
0x5: {  	s4 =	sadd.s32 $0x18400, s6;
	s1 =	sshll.u32 s5, $0x4;
	s9 =	smul.u32 $0x14000, s0  }
0x6: {  	s26 =	ssub.s32 $0x2, s5;
	s28 =	smul.u32 $0x50000, s0;
	s5 =	sadd.s32 $0x15C00, s6  }
0x7: {  	s31 =	sshll.u32 s0, $0x6;
	s1 =	sor.u32 s0, s1;
	s29 =	sshrl.u32 s26, $0x1  }
0x8: {  	s7 =	smul.u32 $0x500, s1;
	s1 =	rddreg [dreg:$0x2];
	_ =	strace $0x8000004A  }
0x9: {  	s25 =	sadd.s32 s9, s8;
	s12 =	ssub.s32 s26, s29;
	s30 =	sshrl.u32 s28, $0x2  }
0xa: {  	s13 =	sadd.s32 s30, s2;
	s10 =	sadd.s32 s7, s6;
	s7 =	sshrl.u32 s25, $0x3  }
0xb: {  	s11 =	sadd.s32 s7, s6;
	s6 =	sor.u32 $0x1C01, s31;
	s7 =	sadd.s32 $0xBC00, s10  }
0xc: {  	s8 =	sadd.s32 $0x1C00, s10;
	s10 =	smax.u32 s12, $0x1;
	s12 =	simm.s32 $0x1  }
0xd: {  	s9 =	sadd.s32 $0x72400, s11;
	s11 =	sshrl.u32 s13, $0x3;
	s13 =	simm.s32 $0x2800  }
.LBB2_1:
0xe: {  	[spmem:s11], [sflag:s6] =	dma.local [hbm:s5], $0x2800  }
0xf: {  	_ =	swait.ge [sflag:s12], $0x2800  }
0x10: {  	[sflag:s12] =	ssyncset.done $0x0  }
0x11: {  	[sflag:s12] =	ssyncadd.s32 $0xFFFFD800  }
0x12: {  	[tilespmem:s3], [sflag:$0x1] =	stream.linear.gather [hbm4b:s7+s3], $0x2780, $0x38;
	[tilespmem:$0x1D000] =	vst v63  }
0x13: {  	_ =	swait.ge [sflag:s12], $0x2780  }
0x14: {  	[sflag:s12] =	ssyncset.done $0x0  }
0x15: {  	[sflag:s12] =	ssyncadd.s32 $0xFFFFD880  }
0x16: {  	[tilespmem:s13], [sflag:$0x1] =	stream.linear.gather [hbm4b:s8+s3], $0x2780, $0x38;
	[tilespmem:$0x1D000] =	vst v63  }
0x17: {  	_ =	swait.ge [sflag:s12], $0x2780  }
0x18: {  	[sflag:s12] =	ssyncset.done $0x0  }
0x19: {  	[sflag:s12] =	ssyncadd.s32 $0xFFFFD880  }
0x1a: {  	s17 =	simm.s32 $0x0;
	[bflag:$0x0] =	sbarrier.arrive $0xFFFF  }
0x1b: {  	[tilespmem:s15], [sflag:$0x1] =	stream.indirect.gather [hbm4b:s4+s14], $0x80, s17, s14, $0xb8;
	[tilespmem:$0x1D000] =	vst v63  }
0x1c: {  	_ =	swait.ge [sflag:s12], $0x4000  }
0x1d: {  	[sflag:s12] =	ssyncset.done $0x0  }
0x1e: {  	s31 =	simm.s32 $0x2800;
	[sflag:s12] =	ssyncadd.s32 $0xFFFFC000  }
0x1f: {  	[spmem:s2] =	stream.indirect.scatter.add.f32 [tilespmem:s15], [sflag:$0x1], $0x80, s31, s14, $0xb8;
	[tilespmem:$0x1D000] =	vst v63  }
0x20: {  	_ =	swait.ge [sflag:s12], $0x4000  }
0x21: {  	s18 =	simm.s32 $0x400;
	s17 =	simm.s32 $0x200;
	[sflag:s12] =	ssyncset.done $0x0  }
.LBB2_2:
0x22: {  	s19 =	sshra.s32 s17, $0x2  }
0x23: {  	[sflag:s12] =	ssyncadd.s32 $0xFFFFC000;
	s17 =	smov.u32 s18;
	s20 =	sadd.s32 $0x200, s18  }
0x24: {  	[tilespmem:s15], [sflag:$0x1] =	stream.indirect.gather [hbm4b:s4+s14], $0x80, s19, s14, $0xb8;
	[tilespmem:$0x1D000] =	vst v63  }
0x25: {  	p0 =	sne.s32 s18, $0x9C00;
	_ =	swait.ge [sflag:s12], $0x4000  }
.Ltmp0:
0x26: {  	[sflag:s12] =	ssyncset.done $0x0;
	(pc) =	sbr.rel @p0 .LBB2_2-.Ltmp0, $4  }
0x27: {  	s18 =	sadd.s32 $0x2800, s19;
	[sflag:s12] =	ssyncadd.s32 $0xFFFFC000  }
0x28: {  	[spmem:s2] =	stream.indirect.scatter.add.f32 [tilespmem:s15], [sflag:$0x1], $0x80, s18, s14, $0xb8;
	[tilespmem:$0x1D000] =	vst v63  }
0x29: {  	_ =	swait.ge [sflag:s12], $0x4000  }
0x2a: {  	s18 =	smov.u32 s20;
	[sflag:s12] =	ssyncset.done $0x0  }
0x2b: {  	s17 =	sshra.s32 s17, $0x2;
	[sflag:s12] =	ssyncadd.s32 $0xFFFFC000  }
0x2c: {  	[tilespmem:s15], [sflag:$0x1] =	stream.indirect.gather [hbm4b:s4+s14], $0x80, s17, s14, $0xb8;
	[tilespmem:$0x1D000] =	vst v63  }
0x2d: {  	_ =	swait.ge [sflag:s12], $0x4000  }
0x2e: {  	[sflag:s12] =	ssyncset.done $0x0  }
0x2f: {  	s17 =	sadd.s32 $0x2800, s17;
	[sflag:s12] =	ssyncadd.s32 $0xFFFFC000  }
0x30: {  	[spmem:s2] =	stream.indirect.scatter.add.f32 [tilespmem:s15], [sflag:$0x1], $0x80, s17, s14, $0xb8;
	[tilespmem:$0x1D000] =	vst v63  }
0x31: {  	_ =	swait.ge [sflag:s12], $0x4000  }
0x32: {  	s16 =	sadd.s32 $0x1, s16;
	[sflag:s12] =	ssyncset.done $0x0  }
0x33: {  	p0 =	sne.s32 s16, s10;
	[sflag:s12] =	ssyncadd.s32 $0xFFFFC000  }
.Ltmp1:
0x34: {  	[bflag:$0x0] =	sbarrier.arrive $0xFFFF;
	(pc) =	sbr.rel @p0 .LBB2_1-.Ltmp1, $4  }
0x35: {  	[hbm:s9], [sflag:s6] =	dma.local [spmem:s11], $0x2800  }
0x36: {  	_ =	swait.ge [sflag:s12], $0x2800  }
0x37: {  	[sflag:s12] =	ssyncset.done $0x0  }
0x38: {  	[sflag:s12] =	ssyncadd.s32 $0xFFFFD800  }
0x39: {  	_ =	sfence.sel $0x180000  }
0x3a: {  	[bflag:$0x0] =	sbarrier.arrive $0xFFFF  }
0x3b: {  	p0 =	sne.s32 s0, $0x0;
	_ =	strace $0x9000004A  }
0x3c: {  	s0 =	sadd.s32 @!p0 $0x100000, s1;
	[bflag:$0x2] =	sbarrier.arrive $0xFFFF  }
0x3d: {  	[sflag:s0] =	ssyncadd.tile.s32 @!p0 $0x1;
	_ =	shalt  }
.Lfunc_end2:
_tile_overlayer_lowered:
.L_overlay_start_2:
0x3e: {  	(tag) =	ssettag $0x2  }
0x3f: {  	s0 =	rddreg [dreg:$0x0];
	s2 =	stileid.u32  }
0x40: {  	s1 =	rddreg [dreg:$0x1];
	p0 =	sne.s32 s2, $0x0  }
0x41: {  	s3 =	rddreg [dreg:$0x2];
	[bflag:$0x3] =	sbarrier.arrive $0xFFFF;
	s2 =	simm.s32 @!p0 $0x1C01  }
0x42: {  	[timem:s3], [sflag:s2] =	dma.local @!p0 [hbm:s0], s1  }
0x43: {  	s0 =	simm.s32 @!p0 $0x1  }
0x44: {  	_ =	swait.ge @!p0 [sflag:s0], s1  }
0x45: {  	s1 =	ssub.s32 @!p0 $0x0, s1;
	[sflag:s0] =	ssyncset.done @!p0 $0x0  }
0x46: {  	[sflag:s0] =	ssyncadd.s32 @!p0 s1  }
0x47: {  	[bflag:$0x3] =	sbarrier.arrive $0xFFFF  }
0x48: {  	_ =	shalt  }

</sc_bundles>
